<compile_context>
chip_gen: v7x
topology: tpu7x:2x2x1
jax: 0.10.2.dev20260603
libtpu: 0.0.44.dev20260713+nightly
codegen_flags: <defaults>
</compile_context>

<pallas_src>
import jax
import jax.numpy as jnp
from jax import lax
from jax.experimental import pallas as pl
from jax.experimental.pallas import tpu as pltpu
from jax.experimental.pallas import tpu_sc as plsc

VOCAB = 100000
EMBED_DIM = 1024
SEQ_LEN = 8192

NC = 2
NS = 16
NW = NC * NS
B_PER_W = SEQ_LEN // NW
CHUNK = 32
NCH = B_PER_W // CHUNK
NBUF = 3


def _emb_body(ids_hbm, table_hbm, out_hbm, idx_v, rows, gsems, osems):
    wid = lax.axis_index("s") * NC + lax.axis_index("c")
    base = wid * B_PER_W
    pltpu.sync_copy(ids_hbm.at[0, pl.ds(base, B_PER_W)], idx_v)
    gd = [None] * NCH
    od = [None] * NCH
    for c in range(min(NBUF, NCH)):
        gd[c] = pltpu.async_copy(
            table_hbm.at[idx_v.at[pl.ds(c * CHUNK, CHUNK)]],
            rows.at[c % NBUF], gsems[c % NBUF])
    for c in range(NCH):
        b = c % NBUF
        gd[c].wait()
        od[c] = pltpu.async_copy(rows.at[b],
                                 out_hbm.at[pl.ds(base + c * CHUNK, CHUNK)],
                                 osems[b])
        if c + NBUF < NCH:
            od[c].wait()
            gd[c + NBUF] = pltpu.async_copy(
                table_hbm.at[idx_v.at[pl.ds((c + NBUF) * CHUNK, CHUNK)]],
                rows.at[b], gsems[b])
    for c in range(max(0, NCH - NBUF), NCH):
        od[c].wait()


@jax.jit
def kernel(input_ids, embed_tokens_weight):
    call = pl.kernel(
        _emb_body,
        out_type=jax.ShapeDtypeStruct((SEQ_LEN, EMBED_DIM), jnp.float32),
        mesh=plsc.VectorSubcoreMesh(core_axis_name="c", subcore_axis_name="s"),
        scratch_types=[
            pltpu.VMEM((B_PER_W,), jnp.int32),
            pltpu.VMEM((NBUF, CHUNK, EMBED_DIM), jnp.float32),
            [pltpu.SemaphoreType.DMA] * NBUF,
            [pltpu.SemaphoreType.DMA] * NBUF,
        ],
    )
    out = call(input_ids, embed_tokens_weight)
    return out.reshape(1, SEQ_LEN, EMBED_DIM)

# --- scband reference (transcript-rebuilt; emitter-appended) ---
"""Pipeline reference for scband-text-embedding-wrapper-25890062861081 (READ-ONLY COPY).

The authoritative reference and input builder live on the scoring server;
editing this copy changes nothing except your own understanding.
"""

import jax, jax.numpy as jnp
import numpy as np

VOCAB = 100000
EMBED_DIM = 1024
SEQ_LEN = 8192

def setup_inputs(seed: int = 0) -> dict:
    key = jax.random.key(seed)
    k_ids, k_tab = jax.random.split(key)
    input_ids = jax.random.randint(k_ids, (1, SEQ_LEN), 0, VOCAB, dtype=jnp.int32)
    embed_tokens_weight = jax.random.normal(k_tab, (VOCAB, EMBED_DIM), dtype=jnp.float32) * 0.02
    return {"input_ids": input_ids, "embed_tokens_weight": embed_tokens_weight}

def reference(input_ids, embed_tokens_weight):
    # forward: self.embed_tokens(input_ids.long()) -> table gather
    return jnp.take(embed_tokens_weight, input_ids, axis=0)

if __name__ == "__main__":
    import jax
    _d = setup_inputs()
    print(jax.jit(kernel)(*tuple(_d.values())))

</pallas_src>

<mosaic_0001>
#map = affine_map<(d0, d1) -> (0, 0)>
module attributes {stable_mosaic.version = 14 : i64} {
  func.func @_emb_body(%arg0: i32, %arg1: i32, %arg2: memref<1x8192xi32, #tpu.memory_space<hbm>>, %arg3: memref<100000x1024xf32, #tpu.memory_space<hbm>>, %arg4: memref<8192x1024xf32, #tpu.memory_space<hbm>>, %arg5: memref<256xi32, #tpu.memory_space<vmem>>, %arg6: memref<3x32x1024xf32, #tpu.memory_space<vmem>>, %arg7: memref<!tpu.dma_semaphore, #tpu.memory_space<semaphore_mem>>, %arg8: memref<!tpu.dma_semaphore, #tpu.memory_space<semaphore_mem>>, %arg9: memref<!tpu.dma_semaphore, #tpu.memory_space<semaphore_mem>>, %arg10: memref<!tpu.dma_semaphore, #tpu.memory_space<semaphore_mem>>, %arg11: memref<!tpu.dma_semaphore, #tpu.memory_space<semaphore_mem>>, %arg12: memref<!tpu.dma_semaphore, #tpu.memory_space<semaphore_mem>>) attributes {dimension_semantics = [#tpu.dimension_semantics<core_parallel>, #tpu.dimension_semantics<subcore_parallel>], iteration_bounds = array<i64: 2, 16>, scalar_prefetch = 0 : i64, scratch_operands = 8 : i64, tpu.core_type = #tpu.core_type<sc_vector_subcore>, window_params = [{transform_indices = #map}, {transform_indices = #map}, {transform_indices = #map}]} {
    %mul3A = arith.constant 2 : i32
    %mul3A_0 = arith.muli %arg1, %mul3A : i32
    %add3A = arith.addi %mul3A_0, %arg0 : i32
    %mul3A_1 = arith.constant 256 : i32
    %mul3A_2 = arith.muli %add3A, %mul3A_1 : i32
    %run_scoped3A = arith.constant 0 : i32
    "tpu.region"() ({
      %run_scoped3A_385 = tpu.sem_alloc : memref<!tpu.dma_semaphore, #tpu.memory_space<semaphore_mem>>
      %dma_start3A_386 = tpu.memref_slice %arg2[%run_scoped3A, %mul3A_2] : memref<1x8192xi32, #tpu.memory_space<hbm>> -> memref<1x256xi32, #tpu.memory_space<hbm>>
      %dma_start3A_387 = tpu.memref_squeeze %dma_start3A_386 : memref<1x256xi32, #tpu.memory_space<hbm>> -> memref<256xi32, #tpu.memory_space<hbm>>
      %dma_start3A_388 = tpu.memref_slice %arg2[%run_scoped3A, %mul3A_2] : memref<1x8192xi32, #tpu.memory_space<hbm>> -> memref<1x256xi32, #tpu.memory_space<hbm>>
      %dma_start3A_389 = tpu.memref_squeeze %dma_start3A_388 : memref<1x256xi32, #tpu.memory_space<hbm>> -> memref<256xi32, #tpu.memory_space<hbm>>
      tpu.enqueue_dma source(%dma_start3A_389 : memref<256xi32, #tpu.memory_space<hbm>>) target(%arg5 : memref<256xi32, #tpu.memory_space<vmem>>) target_semaphore(%run_scoped3A_385 : memref<!tpu.dma_semaphore, #tpu.memory_space<semaphore_mem>>)
      %dma_wait3A_390 = tpu.memref_slice %arg2[%run_scoped3A, %mul3A_2] : memref<1x8192xi32, #tpu.memory_space<hbm>> -> memref<1x256xi32, #tpu.memory_space<hbm>>
      %dma_wait3A_391 = tpu.memref_squeeze %dma_wait3A_390 : memref<1x256xi32, #tpu.memory_space<hbm>> -> memref<256xi32, #tpu.memory_space<hbm>>
      %dma_wait3A_392 = tpu.memref_slice %arg2[%run_scoped3A, %mul3A_2] : memref<1x8192xi32, #tpu.memory_space<hbm>> -> memref<1x256xi32, #tpu.memory_space<hbm>>
      %dma_wait3A_393 = tpu.memref_squeeze %dma_wait3A_392 : memref<1x256xi32, #tpu.memory_space<hbm>> -> memref<256xi32, #tpu.memory_space<hbm>>
      tpu.wait_dma2 semaphore(%run_scoped3A_385 : memref<!tpu.dma_semaphore, #tpu.memory_space<semaphore_mem>>) src(%dma_wait3A_393 : memref<256xi32, #tpu.memory_space<hbm>>) dst(%arg5 : memref<256xi32, #tpu.memory_space<vmem>>)
      tpu.yield
    }) : () -> ()
    %dma_start3A = arith.constant 0 : i32
    %dma_start3A_3 = arith.constant 0 : i32
    %dma_start3A_4 = arith.constant 0 : i32
    %dma_start3A_5 = tpu.memref_slice %arg6[%dma_start3A, %dma_start3A_3, %dma_start3A_4] : memref<3x32x1024xf32, #tpu.memory_space<vmem>> -> memref<1x32x1024xf32, #tpu.memory_space<vmem>>
    %dma_start3A_6 = tpu.memref_squeeze %dma_start3A_5 : memref<1x32x1024xf32, #tpu.memory_space<vmem>> -> memref<32x1024xf32, #tpu.memory_space<vmem>>
    %dma_start3A_7 = arith.constant 0 : i32
    %dma_start3A_8 = tpu.memref_slice %arg5[%dma_start3A_7] : memref<256xi32, #tpu.memory_space<vmem>> -> memref<32xi32, #tpu.memory_space<vmem>>
    %dma_start3A_9 = arith.constant 0 : i32
    %dma_start3A_10 = arith.constant 0 : i32
    %dma_start3A_11 = tpu.memref_slice %arg3[%dma_start3A_9, %dma_start3A_10] : memref<100000x1024xf32, #tpu.memory_space<hbm>> -> memref<100000x1024xf32, #tpu.memory_space<hbm>>
    tpu.enqueue_indirect_dma source(%dma_start3A_11 : memref<100000x1024xf32, #tpu.memory_space<hbm>>) target(%dma_start3A_6 : memref<32x1024xf32, #tpu.memory_space<vmem>>) offsets(%dma_start3A_8 : memref<32xi32, #tpu.memory_space<vmem>>) semaphore(%arg7 : memref<!tpu.dma_semaphore, #tpu.memory_space<semaphore_mem>>)
    %dma_start3A_12 = arith.constant 1 : i32
    %dma_start3A_13 = arith.constant 0 : i32
    %dma_start3A_14 = arith.constant 0 : i32
    %dma_start3A_15 = tpu.memref_slice %arg6[%dma_start3A_12, %dma_start3A_13, %dma_start3A_14] : memref<3x32x1024xf32, #tpu.memory_space<vmem>> -> memref<1x32x1024xf32, #tpu.memory_space<vmem>>
    %dma_start3A_16 = tpu.memref_squeeze %dma_start3A_15 : memref<1x32x1024xf32, #tpu.memory_space<vmem>> -> memref<32x1024xf32, #tpu.memory_space<vmem>>
    %dma_start3A_17 = arith.constant 32 : i32
    %dma_start3A_18 = tpu.memref_slice %arg5[%dma_start3A_17] : memref<256xi32, #tpu.memory_space<vmem>> -> memref<32xi32, #tpu.memory_space<vmem>>
    %dma_start3A_19 = arith.constant 0 : i32
    %dma_start3A_20 = arith.constant 0 : i32
    %dma_start3A_21 = tpu.memref_slice %arg3[%dma_start3A_19, %dma_start3A_20] : memref<100000x1024xf32, #tpu.memory_space<hbm>> -> memref<100000x1024xf32, #tpu.memory_space<hbm>>
    tpu.enqueue_indirect_dma source(%dma_start3A_21 : memref<100000x1024xf32, #tpu.memory_space<hbm>>) target(%dma_start3A_16 : memref<32x1024xf32, #tpu.memory_space<vmem>>) offsets(%dma_start3A_18 : memref<32xi32, #tpu.memory_space<vmem>>) semaphore(%arg8 : memref<!tpu.dma_semaphore, #tpu.memory_space<semaphore_mem>>)
    %dma_start3A_22 = arith.constant 2 : i32
    %dma_start3A_23 = arith.constant 0 : i32
    %dma_start3A_24 = arith.constant 0 : i32
    %dma_start3A_25 = tpu.memref_slice %arg6[%dma_start3A_22, %dma_start3A_23, %dma_start3A_24] : memref<3x32x1024xf32, #tpu.memory_space<vmem>> -> memref<1x32x1024xf32, #tpu.memory_space<vmem>>
    %dma_start3A_26 = tpu.memref_squeeze %dma_start3A_25 : memref<1x32x1024xf32, #tpu.memory_space<vmem>> -> memref<32x1024xf32, #tpu.memory_space<vmem>>
    %dma_start3A_27 = arith.constant 64 : i32
    %dma_start3A_28 = tpu.memref_slice %arg5[%dma_start3A_27] : memref<256xi32, #tpu.memory_space<vmem>> -> memref<32xi32, #tpu.memory_space<vmem>>
    %dma_start3A_29 = arith.constant 0 : i32
    %dma_start3A_30 = arith.constant 0 : i32
    %dma_start3A_31 = tpu.memref_slice %arg3[%dma_start3A_29, %dma_start3A_30] : memref<100000x1024xf32, #tpu.memory_space<hbm>> -> memref<100000x1024xf32, #tpu.memory_space<hbm>>
    tpu.enqueue_indirect_dma source(%dma_start3A_31 : memref<100000x1024xf32, #tpu.memory_space<hbm>>) target(%dma_start3A_26 : memref<32x1024xf32, #tpu.memory_space<vmem>>) offsets(%dma_start3A_28 : memref<32xi32, #tpu.memory_space<vmem>>) semaphore(%arg9 : memref<!tpu.dma_semaphore, #tpu.memory_space<semaphore_mem>>)
    %dma_wait3A = arith.constant 0 : i32
    %dma_wait3A_32 = arith.constant 0 : i32
    %dma_wait3A_33 = arith.constant 0 : i32
    %dma_wait3A_34 = tpu.memref_slice %arg6[%dma_wait3A, %dma_wait3A_32, %dma_wait3A_33] : memref<3x32x1024xf32, #tpu.memory_space<vmem>> -> memref<1x32x1024xf32, #tpu.memory_space<vmem>>
    %dma_wait3A_35 = tpu.memref_squeeze %dma_wait3A_34 : memref<1x32x1024xf32, #tpu.memory_space<vmem>> -> memref<32x1024xf32, #tpu.memory_space<vmem>>
    %dma_wait3A_36 = arith.constant 0 : i32
    %dma_wait3A_37 = tpu.memref_slice %arg5[%dma_wait3A_36] : memref<256xi32, #tpu.memory_space<vmem>> -> memref<32xi32, #tpu.memory_space<vmem>>
    %dma_wait3A_38 = arith.constant 0 : i32
    %dma_wait3A_39 = arith.constant 0 : i32
    %dma_wait3A_40 = tpu.memref_slice %arg3[%dma_wait3A_38, %dma_wait3A_39] : memref<100000x1024xf32, #tpu.memory_space<hbm>> -> memref<100000x1024xf32, #tpu.memory_space<hbm>>
    tpu.wait_indirect_dma semaphore(%arg7 : memref<!tpu.dma_semaphore, #tpu.memory_space<semaphore_mem>>) src(%dma_wait3A_40 : memref<100000x1024xf32, #tpu.memory_space<hbm>>) dst(%dma_wait3A_35 : memref<32x1024xf32, #tpu.memory_space<vmem>>)
    %add3A_41 = arith.constant 0 : i32
    %add3A_42 = arith.addi %mul3A_2, %add3A_41 : i32
    %dma_start3A_43 = arith.constant 0 : i32
    %dma_start3A_44 = arith.constant 0 : i32
    %dma_start3A_45 = arith.constant 0 : i32
    %dma_start3A_46 = tpu.memref_slice %arg6[%dma_start3A_43, %dma_start3A_44, %dma_start3A_45] : memref<3x32x1024xf32, #tpu.memory_space<vmem>> -> memref<1x32x1024xf32, #tpu.memory_space<vmem>>
    %dma_start3A_47 = tpu.memref_squeeze %dma_start3A_46 : memref<1x32x1024xf32, #tpu.memory_space<vmem>> -> memref<32x1024xf32, #tpu.memory_space<vmem>>
    %dma_start3A_48 = arith.constant 0 : i32
    %dma_start3A_49 = tpu.memref_slice %arg4[%add3A_42, %dma_start3A_48] : memref<8192x1024xf32, #tpu.memory_space<hbm>> -> memref<32x1024xf32, #tpu.memory_space<hbm>>
    %dma_start3A_50 = arith.constant 0 : i32
    %dma_start3A_51 = tpu.memref_slice %arg4[%add3A_42, %dma_start3A_50] : memref<8192x1024xf32, #tpu.memory_space<hbm>> -> memref<32x1024xf32, #tpu.memory_space<hbm>>
    %dma_start3A_52 = arith.constant 0 : i32
    %dma_start3A_53 = arith.constant 0 : i32
    %dma_start3A_54 = tpu.memref_slice %arg6[%dma_start3A_43, %dma_start3A_52, %dma_start3A_53] : memref<3x32x1024xf32, #tpu.memory_space<vmem>> -> memref<1x32x1024xf32, #tpu.memory_space<vmem>>
    %dma_start3A_55 = tpu.memref_squeeze %dma_start3A_54 : memref<1x32x1024xf32, #tpu.memory_space<vmem>> -> memref<32x1024xf32, #tpu.memory_space<vmem>>
    tpu.enqueue_dma source(%dma_start3A_55 : memref<32x1024xf32, #tpu.memory_space<vmem>>) target(%dma_start3A_51 : memref<32x1024xf32, #tpu.memory_space<hbm>>) target_semaphore(%arg10 : memref<!tpu.dma_semaphore, #tpu.memory_space<semaphore_mem>>)
    %dma_wait3A_56 = arith.constant 0 : i32
    %dma_wait3A_57 = arith.constant 0 : i32
    %dma_wait3A_58 = arith.constant 0 : i32
    %dma_wait3A_59 = tpu.memref_slice %arg6[%dma_wait3A_56, %dma_wait3A_57, %dma_wait3A_58] : memref<3x32x1024xf32, #tpu.memory_space<vmem>> -> memref<1x32x1024xf32, #tpu.memory_space<vmem>>
    %dma_wait3A_60 = tpu.memref_squeeze %dma_wait3A_59 : memref<1x32x1024xf32, #tpu.memory_space<vmem>> -> memref<32x1024xf32, #tpu.memory_space<vmem>>
    %dma_wait3A_61 = arith.constant 0 : i32
    %dma_wait3A_62 = tpu.memref_slice %arg4[%add3A_42, %dma_wait3A_61] : memref<8192x1024xf32, #tpu.memory_space<hbm>> -> memref<32x1024xf32, #tpu.memory_space<hbm>>
    %dma_wait3A_63 = arith.constant 0 : i32
    %dma_wait3A_64 = tpu.memref_slice %arg4[%add3A_42, %dma_wait3A_63] : memref<8192x1024xf32, #tpu.memory_space<hbm>> -> memref<32x1024xf32, #tpu.memory_space<hbm>>
    %dma_wait3A_65 = arith.constant 0 : i32
    %dma_wait3A_66 = arith.constant 0 : i32
    %dma_wait3A_67 = tpu.memref_slice %arg6[%dma_wait3A_56, %dma_wait3A_65, %dma_wait3A_66] : memref<3x32x1024xf32, #tpu.memory_space<vmem>> -> memref<1x32x1024xf32, #tpu.memory_space<vmem>>
    %dma_wait3A_68 = tpu.memref_squeeze %dma_wait3A_67 : memref<1x32x1024xf32, #tpu.memory_space<vmem>> -> memref<32x1024xf32, #tpu.memory_space<vmem>>
    tpu.wait_dma2 semaphore(%arg10 : memref<!tpu.dma_semaphore, #tpu.memory_space<semaphore_mem>>) src(%dma_wait3A_68 : memref<32x1024xf32, #tpu.memory_space<vmem>>) dst(%dma_wait3A_64 : memref<32x1024xf32, #tpu.memory_space<hbm>>)
    %dma_start3A_69 = arith.constant 0 : i32
    %dma_start3A_70 = arith.constant 0 : i32
    %dma_start3A_71 = arith.constant 0 : i32
    %dma_start3A_72 = tpu.memref_slice %arg6[%dma_start3A_69, %dma_start3A_70, %dma_start3A_71] : memref<3x32x1024xf32, #tpu.memory_space<vmem>> -> memref<1x32x1024xf32, #tpu.memory_space<vmem>>
    %dma_start3A_73 = tpu.memref_squeeze %dma_start3A_72 : memref<1x32x1024xf32, #tpu.memory_space<vmem>> -> memref<32x1024xf32, #tpu.memory_space<vmem>>
    %dma_start3A_74 = arith.constant 96 : i32
    %dma_start3A_75 = tpu.memref_slice %arg5[%dma_start3A_74] : memref<256xi32, #tpu.memory_space<vmem>> -> memref<32xi32, #tpu.memory_space<vmem>>
    %dma_start3A_76 = arith.constant 0 : i32
    %dma_start3A_77 = arith.constant 0 : i32
    %dma_start3A_78 = tpu.memref_slice %arg3[%dma_start3A_76, %dma_start3A_77] : memref<100000x1024xf32, #tpu.memory_space<hbm>> -> memref<100000x1024xf32, #tpu.memory_space<hbm>>
    tpu.enqueue_indirect_dma source(%dma_start3A_78 : memref<100000x1024xf32, #tpu.memory_space<hbm>>) target(%dma_start3A_73 : memref<32x1024xf32, #tpu.memory_space<vmem>>) offsets(%dma_start3A_75 : memref<32xi32, #tpu.memory_space<vmem>>) semaphore(%arg7 : memref<!tpu.dma_semaphore, #tpu.memory_space<semaphore_mem>>)
    %dma_wait3A_79 = arith.constant 1 : i32
    %dma_wait3A_80 = arith.constant 0 : i32
    %dma_wait3A_81 = arith.constant 0 : i32
    %dma_wait3A_82 = tpu.memref_slice %arg6[%dma_wait3A_79, %dma_wait3A_80, %dma_wait3A_81] : memref<3x32x1024xf32, #tpu.memory_space<vmem>> -> memref<1x32x1024xf32, #tpu.memory_space<vmem>>
    %dma_wait3A_83 = tpu.memref_squeeze %dma_wait3A_82 : memref<1x32x1024xf32, #tpu.memory_space<vmem>> -> memref<32x1024xf32, #tpu.memory_space<vmem>>
    %dma_wait3A_84 = arith.constant 32 : i32
    %dma_wait3A_85 = tpu.memref_slice %arg5[%dma_wait3A_84] : memref<256xi32, #tpu.memory_space<vmem>> -> memref<32xi32, #tpu.memory_space<vmem>>
    %dma_wait3A_86 = arith.constant 0 : i32
    %dma_wait3A_87 = arith.constant 0 : i32
    %dma_wait3A_88 = tpu.memref_slice %arg3[%dma_wait3A_86, %dma_wait3A_87] : memref<100000x1024xf32, #tpu.memory_space<hbm>> -> memref<100000x1024xf32, #tpu.memory_space<hbm>>
    tpu.wait_indirect_dma semaphore(%arg8 : memref<!tpu.dma_semaphore, #tpu.memory_space<semaphore_mem>>) src(%dma_wait3A_88 : memref<100000x1024xf32, #tpu.memory_space<hbm>>) dst(%dma_wait3A_83 : memref<32x1024xf32, #tpu.memory_space<vmem>>)
    %add3A_89 = arith.constant 32 : i32
    %add3A_90 = arith.addi %mul3A_2, %add3A_89 : i32
    %dma_start3A_91 = arith.constant 1 : i32
    %dma_start3A_92 = arith.constant 0 : i32
    %dma_start3A_93 = arith.constant 0 : i32
    %dma_start3A_94 = tpu.memref_slice %arg6[%dma_start3A_91, %dma_start3A_92, %dma_start3A_93] : memref<3x32x1024xf32, #tpu.memory_space<vmem>> -> memref<1x32x1024xf32, #tpu.memory_space<vmem>>
    %dma_start3A_95 = tpu.memref_squeeze %dma_start3A_94 : memref<1x32x1024xf32, #tpu.memory_space<vmem>> -> memref<32x1024xf32, #tpu.memory_space<vmem>>
    %dma_start3A_96 = arith.constant 0 : i32
    %dma_start3A_97 = tpu.memref_slice %arg4[%add3A_90, %dma_start3A_96] : memref<8192x1024xf32, #tpu.memory_space<hbm>> -> memref<32x1024xf32, #tpu.memory_space<hbm>>
    %dma_start3A_98 = arith.constant 0 : i32
    %dma_start3A_99 = tpu.memref_slice %arg4[%add3A_90, %dma_start3A_98] : memref<8192x1024xf32, #tpu.memory_space<hbm>> -> memref<32x1024xf32, #tpu.memory_space<hbm>>
    %dma_start3A_100 = arith.constant 0 : i32
    %dma_start3A_101 = arith.constant 0 : i32
    %dma_start3A_102 = tpu.memref_slice %arg6[%dma_start3A_91, %dma_start3A_100, %dma_start3A_101] : memref<3x32x1024xf32, #tpu.memory_space<vmem>> -> memref<1x32x1024xf32, #tpu.memory_space<vmem>>
    %dma_start3A_103 = tpu.memref_squeeze %dma_start3A_102 : memref<1x32x1024xf32, #tpu.memory_space<vmem>> -> memref<32x1024xf32, #tpu.memory_space<vmem>>
    tpu.enqueue_dma source(%dma_start3A_103 : memref<32x1024xf32, #tpu.memory_space<vmem>>) target(%dma_start3A_99 : memref<32x1024xf32, #tpu.memory_space<hbm>>) target_semaphore(%arg11 : memref<!tpu.dma_semaphore, #tpu.memory_space<semaphore_mem>>)
    %dma_wait3A_104 = arith.constant 1 : i32
    %dma_wait3A_105 = arith.constant 0 : i32
    %dma_wait3A_106 = arith.constant 0 : i32
    %dma_wait3A_107 = tpu.memref_slice %arg6[%dma_wait3A_104, %dma_wait3A_105, %dma_wait3A_106] : memref<3x32x1024xf32, #tpu.memory_space<vmem>> -> memref<1x32x1024xf32, #tpu.memory_space<vmem>>
    %dma_wait3A_108 = tpu.memref_squeeze %dma_wait3A_107 : memref<1x32x1024xf32, #tpu.memory_space<vmem>> -> memref<32x1024xf32, #tpu.memory_space<vmem>>
    %dma_wait3A_109 = arith.constant 0 : i32
    %dma_wait3A_110 = tpu.memref_slice %arg4[%add3A_90, %dma_wait3A_109] : memref<8192x1024xf32, #tpu.memory_space<hbm>> -> memref<32x1024xf32, #tpu.memory_space<hbm>>
    %dma_wait3A_111 = arith.constant 0 : i32
    %dma_wait3A_112 = tpu.memref_slice %arg4[%add3A_90, %dma_wait3A_111] : memref<8192x1024xf32, #tpu.memory_space<hbm>> -> memref<32x1024xf32, #tpu.memory_space<hbm>>
    %dma_wait3A_113 = arith.constant 0 : i32
    %dma_wait3A_114 = arith.constant 0 : i32
    %dma_wait3A_115 = tpu.memref_slice %arg6[%dma_wait3A_104, %dma_wait3A_113, %dma_wait3A_114] : memref<3x32x1024xf32, #tpu.memory_space<vmem>> -> memref<1x32x1024xf32, #tpu.memory_space<vmem>>
    %dma_wait3A_116 = tpu.memref_squeeze %dma_wait3A_115 : memref<1x32x1024xf32, #tpu.memory_space<vmem>> -> memref<32x1024xf32, #tpu.memory_space<vmem>>
    tpu.wait_dma2 semaphore(%arg11 : memref<!tpu.dma_semaphore, #tpu.memory_space<semaphore_mem>>) src(%dma_wait3A_116 : memref<32x1024xf32, #tpu.memory_space<vmem>>) dst(%dma_wait3A_112 : memref<32x1024xf32, #tpu.memory_space<hbm>>)
    %dma_start3A_117 = arith.constant 1 : i32
    %dma_start3A_118 = arith.constant 0 : i32
    %dma_start3A_119 = arith.constant 0 : i32
    %dma_start3A_120 = tpu.memref_slice %arg6[%dma_start3A_117, %dma_start3A_118, %dma_start3A_119] : memref<3x32x1024xf32, #tpu.memory_space<vmem>> -> memref<1x32x1024xf32, #tpu.memory_space<vmem>>
    %dma_start3A_121 = tpu.memref_squeeze %dma_start3A_120 : memref<1x32x1024xf32, #tpu.memory_space<vmem>> -> memref<32x1024xf32, #tpu.memory_space<vmem>>
    %dma_start3A_122 = arith.constant 128 : i32
    %dma_start3A_123 = tpu.memref_slice %arg5[%dma_start3A_122] : memref<256xi32, #tpu.memory_space<vmem>> -> memref<32xi32, #tpu.memory_space<vmem>>
    %dma_start3A_124 = arith.constant 0 : i32
    %dma_start3A_125 = arith.constant 0 : i32
    %dma_start3A_126 = tpu.memref_slice %arg3[%dma_start3A_124, %dma_start3A_125] : memref<100000x1024xf32, #tpu.memory_space<hbm>> -> memref<100000x1024xf32, #tpu.memory_space<hbm>>
    tpu.enqueue_indirect_dma source(%dma_start3A_126 : memref<100000x1024xf32, #tpu.memory_space<hbm>>) target(%dma_start3A_121 : memref<32x1024xf32, #tpu.memory_space<vmem>>) offsets(%dma_start3A_123 : memref<32xi32, #tpu.memory_space<vmem>>) semaphore(%arg8 : memref<!tpu.dma_semaphore, #tpu.memory_space<semaphore_mem>>)
    %dma_wait3A_127 = arith.constant 2 : i32
    %dma_wait3A_128 = arith.constant 0 : i32
    %dma_wait3A_129 = arith.constant 0 : i32
    %dma_wait3A_130 = tpu.memref_slice %arg6[%dma_wait3A_127, %dma_wait3A_128, %dma_wait3A_129] : memref<3x32x1024xf32, #tpu.memory_space<vmem>> -> memref<1x32x1024xf32, #tpu.memory_space<vmem>>
    %dma_wait3A_131 = tpu.memref_squeeze %dma_wait3A_130 : memref<1x32x1024xf32, #tpu.memory_space<vmem>> -> memref<32x1024xf32, #tpu.memory_space<vmem>>
    %dma_wait3A_132 = arith.constant 64 : i32
    %dma_wait3A_133 = tpu.memref_slice %arg5[%dma_wait3A_132] : memref<256xi32, #tpu.memory_space<vmem>> -> memref<32xi32, #tpu.memory_space<vmem>>
    %dma_wait3A_134 = arith.constant 0 : i32
    %dma_wait3A_135 = arith.constant 0 : i32
    %dma_wait3A_136 = tpu.memref_slice %arg3[%dma_wait3A_134, %dma_wait3A_135] : memref<100000x1024xf32, #tpu.memory_space<hbm>> -> memref<100000x1024xf32, #tpu.memory_space<hbm>>
    tpu.wait_indirect_dma semaphore(%arg9 : memref<!tpu.dma_semaphore, #tpu.memory_space<semaphore_mem>>) src(%dma_wait3A_136 : memref<100000x1024xf32, #tpu.memory_space<hbm>>) dst(%dma_wait3A_131 : memref<32x1024xf32, #tpu.memory_space<vmem>>)
    %add3A_137 = arith.constant 64 : i32
    %add3A_138 = arith.addi %mul3A_2, %add3A_137 : i32
    %dma_start3A_139 = arith.constant 2 : i32
    %dma_start3A_140 = arith.constant 0 : i32
    %dma_start3A_141 = arith.constant 0 : i32
    %dma_start3A_142 = tpu.memref_slice %arg6[%dma_start3A_139, %dma_start3A_140, %dma_start3A_141] : memref<3x32x1024xf32, #tpu.memory_space<vmem>> -> memref<1x32x1024xf32, #tpu.memory_space<vmem>>
    %dma_start3A_143 = tpu.memref_squeeze %dma_start3A_142 : memref<1x32x1024xf32, #tpu.memory_space<vmem>> -> memref<32x1024xf32, #tpu.memory_space<vmem>>
    %dma_start3A_144 = arith.constant 0 : i32
    %dma_start3A_145 = tpu.memref_slice %arg4[%add3A_138, %dma_start3A_144] : memref<8192x1024xf32, #tpu.memory_space<hbm>> -> memref<32x1024xf32, #tpu.memory_space<hbm>>
    %dma_start3A_146 = arith.constant 0 : i32
    %dma_start3A_147 = tpu.memref_slice %arg4[%add3A_138, %dma_start3A_146] : memref<8192x1024xf32, #tpu.memory_space<hbm>> -> memref<32x1024xf32, #tpu.memory_space<hbm>>
    %dma_start3A_148 = arith.constant 0 : i32
    %dma_start3A_149 = arith.constant 0 : i32
    %dma_start3A_150 = tpu.memref_slice %arg6[%dma_start3A_139, %dma_start3A_148, %dma_start3A_149] : memref<3x32x1024xf32, #tpu.memory_space<vmem>> -> memref<1x32x1024xf32, #tpu.memory_space<vmem>>
    %dma_start3A_151 = tpu.memref_squeeze %dma_start3A_150 : memref<1x32x1024xf32, #tpu.memory_space<vmem>> -> memref<32x1024xf32, #tpu.memory_space<vmem>>
    tpu.enqueue_dma source(%dma_start3A_151 : memref<32x1024xf32, #tpu.memory_space<vmem>>) target(%dma_start3A_147 : memref<32x1024xf32, #tpu.memory_space<hbm>>) target_semaphore(%arg12 : memref<!tpu.dma_semaphore, #tpu.memory_space<semaphore_mem>>)
    %dma_wait3A_152 = arith.constant 2 : i32
    %dma_wait3A_153 = arith.constant 0 : i32
    %dma_wait3A_154 = arith.constant 0 : i32
    %dma_wait3A_155 = tpu.memref_slice %arg6[%dma_wait3A_152, %dma_wait3A_153, %dma_wait3A_154] : memref<3x32x1024xf32, #tpu.memory_space<vmem>> -> memref<1x32x1024xf32, #tpu.memory_space<vmem>>
    %dma_wait3A_156 = tpu.memref_squeeze %dma_wait3A_155 : memref<1x32x1024xf32, #tpu.memory_space<vmem>> -> memref<32x1024xf32, #tpu.memory_space<vmem>>
    %dma_wait3A_157 = arith.constant 0 : i32
    %dma_wait3A_158 = tpu.memref_slice %arg4[%add3A_138, %dma_wait3A_157] : memref<8192x1024xf32, #tpu.memory_space<hbm>> -> memref<32x1024xf32, #tpu.memory_space<hbm>>
    %dma_wait3A_159 = arith.constant 0 : i32
    %dma_wait3A_160 = tpu.memref_slice %arg4[%add3A_138, %dma_wait3A_159] : memref<8192x1024xf32, #tpu.memory_space<hbm>> -> memref<32x1024xf32, #tpu.memory_space<hbm>>
    %dma_wait3A_161 = arith.constant 0 : i32
    %dma_wait3A_162 = arith.constant 0 : i32
    %dma_wait3A_163 = tpu.memref_slice %arg6[%dma_wait3A_152, %dma_wait3A_161, %dma_wait3A_162] : memref<3x32x1024xf32, #tpu.memory_space<vmem>> -> memref<1x32x1024xf32, #tpu.memory_space<vmem>>
    %dma_wait3A_164 = tpu.memref_squeeze %dma_wait3A_163 : memref<1x32x1024xf32, #tpu.memory_space<vmem>> -> memref<32x1024xf32, #tpu.memory_space<vmem>>
    tpu.wait_dma2 semaphore(%arg12 : memref<!tpu.dma_semaphore, #tpu.memory_space<semaphore_mem>>) src(%dma_wait3A_164 : memref<32x1024xf32, #tpu.memory_space<vmem>>) dst(%dma_wait3A_160 : memref<32x1024xf32, #tpu.memory_space<hbm>>)
    %dma_start3A_165 = arith.constant 2 : i32
    %dma_start3A_166 = arith.constant 0 : i32
    %dma_start3A_167 = arith.constant 0 : i32
    %dma_start3A_168 = tpu.memref_slice %arg6[%dma_start3A_165, %dma_start3A_166, %dma_start3A_167] : memref<3x32x1024xf32, #tpu.memory_space<vmem>> -> memref<1x32x1024xf32, #tpu.memory_space<vmem>>
    %dma_start3A_169 = tpu.memref_squeeze %dma_start3A_168 : memref<1x32x1024xf32, #tpu.memory_space<vmem>> -> memref<32x1024xf32, #tpu.memory_space<vmem>>
    %dma_start3A_170 = arith.constant 160 : i32
    %dma_start3A_171 = tpu.memref_slice %arg5[%dma_start3A_170] : memref<256xi32, #tpu.memory_space<vmem>> -> memref<32xi32, #tpu.memory_space<vmem>>
    %dma_start3A_172 = arith.constant 0 : i32
    %dma_start3A_173 = arith.constant 0 : i32
    %dma_start3A_174 = tpu.memref_slice %arg3[%dma_start3A_172, %dma_start3A_173] : memref<100000x1024xf32, #tpu.memory_space<hbm>> -> memref<100000x1024xf32, #tpu.memory_space<hbm>>
    tpu.enqueue_indirect_dma source(%dma_start3A_174 : memref<100000x1024xf32, #tpu.memory_space<hbm>>) target(%dma_start3A_169 : memref<32x1024xf32, #tpu.memory_space<vmem>>) offsets(%dma_start3A_171 : memref<32xi32, #tpu.memory_space<vmem>>) semaphore(%arg9 : memref<!tpu.dma_semaphore, #tpu.memory_space<semaphore_mem>>)
    %dma_wait3A_175 = arith.constant 0 : i32
    %dma_wait3A_176 = arith.constant 0 : i32
    %dma_wait3A_177 = arith.constant 0 : i32
    %dma_wait3A_178 = tpu.memref_slice %arg6[%dma_wait3A_175, %dma_wait3A_176, %dma_wait3A_177] : memref<3x32x1024xf32, #tpu.memory_space<vmem>> -> memref<1x32x1024xf32, #tpu.memory_space<vmem>>
    %dma_wait3A_179 = tpu.memref_squeeze %dma_wait3A_178 : memref<1x32x1024xf32, #tpu.memory_space<vmem>> -> memref<32x1024xf32, #tpu.memory_space<vmem>>
    %dma_wait3A_180 = arith.constant 96 : i32
    %dma_wait3A_181 = tpu.memref_slice %arg5[%dma_wait3A_180] : memref<256xi32, #tpu.memory_space<vmem>> -> memref<32xi32, #tpu.memory_space<vmem>>
    %dma_wait3A_182 = arith.constant 0 : i32
    %dma_wait3A_183 = arith.constant 0 : i32
    %dma_wait3A_184 = tpu.memref_slice %arg3[%dma_wait3A_182, %dma_wait3A_183] : memref<100000x1024xf32, #tpu.memory_space<hbm>> -> memref<100000x1024xf32, #tpu.memory_space<hbm>>
    tpu.wait_indirect_dma semaphore(%arg7 : memref<!tpu.dma_semaphore, #tpu.memory_space<semaphore_mem>>) src(%dma_wait3A_184 : memref<100000x1024xf32, #tpu.memory_space<hbm>>) dst(%dma_wait3A_179 : memref<32x1024xf32, #tpu.memory_space<vmem>>)
    %add3A_185 = arith.constant 96 : i32
    %add3A_186 = arith.addi %mul3A_2, %add3A_185 : i32
    %dma_start3A_187 = arith.constant 0 : i32
    %dma_start3A_188 = arith.constant 0 : i32
    %dma_start3A_189 = arith.constant 0 : i32
    %dma_start3A_190 = tpu.memref_slice %arg6[%dma_start3A_187, %dma_start3A_188, %dma_start3A_189] : memref<3x32x1024xf32, #tpu.memory_space<vmem>> -> memref<1x32x1024xf32, #tpu.memory_space<vmem>>
    %dma_start3A_191 = tpu.memref_squeeze %dma_start3A_190 : memref<1x32x1024xf32, #tpu.memory_space<vmem>> -> memref<32x1024xf32, #tpu.memory_space<vmem>>
    %dma_start3A_192 = arith.constant 0 : i32
    %dma_start3A_193 = tpu.memref_slice %arg4[%add3A_186, %dma_start3A_192] : memref<8192x1024xf32, #tpu.memory_space<hbm>> -> memref<32x1024xf32, #tpu.memory_space<hbm>>
    %dma_start3A_194 = arith.constant 0 : i32
    %dma_start3A_195 = tpu.memref_slice %arg4[%add3A_186, %dma_start3A_194] : memref<8192x1024xf32, #tpu.memory_space<hbm>> -> memref<32x1024xf32, #tpu.memory_space<hbm>>
    %dma_start3A_196 = arith.constant 0 : i32
    %dma_start3A_197 = arith.constant 0 : i32
    %dma_start3A_198 = tpu.memref_slice %arg6[%dma_start3A_187, %dma_start3A_196, %dma_start3A_197] : memref<3x32x1024xf32, #tpu.memory_space<vmem>> -> memref<1x32x1024xf32, #tpu.memory_space<vmem>>
    %dma_start3A_199 = tpu.memref_squeeze %dma_start3A_198 : memref<1x32x1024xf32, #tpu.memory_space<vmem>> -> memref<32x1024xf32, #tpu.memory_space<vmem>>
    tpu.enqueue_dma source(%dma_start3A_199 : memref<32x1024xf32, #tpu.memory_space<vmem>>) target(%dma_start3A_195 : memref<32x1024xf32, #tpu.memory_space<hbm>>) target_semaphore(%arg10 : memref<!tpu.dma_semaphore, #tpu.memory_space<semaphore_mem>>)
    %dma_wait3A_200 = arith.constant 0 : i32
    %dma_wait3A_201 = arith.constant 0 : i32
    %dma_wait3A_202 = arith.constant 0 : i32
    %dma_wait3A_203 = tpu.memref_slice %arg6[%dma_wait3A_200, %dma_wait3A_201, %dma_wait3A_202] : memref<3x32x1024xf32, #tpu.memory_space<vmem>> -> memref<1x32x1024xf32, #tpu.memory_space<vmem>>
    %dma_wait3A_204 = tpu.memref_squeeze %dma_wait3A_203 : memref<1x32x1024xf32, #tpu.memory_space<vmem>> -> memref<32x1024xf32, #tpu.memory_space<vmem>>
    %dma_wait3A_205 = arith.constant 0 : i32
    %dma_wait3A_206 = tpu.memref_slice %arg4[%add3A_186, %dma_wait3A_205] : memref<8192x1024xf32, #tpu.memory_space<hbm>> -> memref<32x1024xf32, #tpu.memory_space<hbm>>
    %dma_wait3A_207 = arith.constant 0 : i32
    %dma_wait3A_208 = tpu.memref_slice %arg4[%add3A_186, %dma_wait3A_207] : memref<8192x1024xf32, #tpu.memory_space<hbm>> -> memref<32x1024xf32, #tpu.memory_space<hbm>>
    %dma_wait3A_209 = arith.constant 0 : i32
    %dma_wait3A_210 = arith.constant 0 : i32
    %dma_wait3A_211 = tpu.memref_slice %arg6[%dma_wait3A_200, %dma_wait3A_209, %dma_wait3A_210] : memref<3x32x1024xf32, #tpu.memory_space<vmem>> -> memref<1x32x1024xf32, #tpu.memory_space<vmem>>
    %dma_wait3A_212 = tpu.memref_squeeze %dma_wait3A_211 : memref<1x32x1024xf32, #tpu.memory_space<vmem>> -> memref<32x1024xf32, #tpu.memory_space<vmem>>
    tpu.wait_dma2 semaphore(%arg10 : memref<!tpu.dma_semaphore, #tpu.memory_space<semaphore_mem>>) src(%dma_wait3A_212 : memref<32x1024xf32, #tpu.memory_space<vmem>>) dst(%dma_wait3A_208 : memref<32x1024xf32, #tpu.memory_space<hbm>>)
    %dma_start3A_213 = arith.constant 0 : i32
    %dma_start3A_214 = arith.constant 0 : i32
    %dma_start3A_215 = arith.constant 0 : i32
    %dma_start3A_216 = tpu.memref_slice %arg6[%dma_start3A_213, %dma_start3A_214, %dma_start3A_215] : memref<3x32x1024xf32, #tpu.memory_space<vmem>> -> memref<1x32x1024xf32, #tpu.memory_space<vmem>>
    %dma_start3A_217 = tpu.memref_squeeze %dma_start3A_216 : memref<1x32x1024xf32, #tpu.memory_space<vmem>> -> memref<32x1024xf32, #tpu.memory_space<vmem>>
    %dma_start3A_218 = arith.constant 192 : i32
    %dma_start3A_219 = tpu.memref_slice %arg5[%dma_start3A_218] : memref<256xi32, #tpu.memory_space<vmem>> -> memref<32xi32, #tpu.memory_space<vmem>>
    %dma_start3A_220 = arith.constant 0 : i32
    %dma_start3A_221 = arith.constant 0 : i32
    %dma_start3A_222 = tpu.memref_slice %arg3[%dma_start3A_220, %dma_start3A_221] : memref<100000x1024xf32, #tpu.memory_space<hbm>> -> memref<100000x1024xf32, #tpu.memory_space<hbm>>
    tpu.enqueue_indirect_dma source(%dma_start3A_222 : memref<100000x1024xf32, #tpu.memory_space<hbm>>) target(%dma_start3A_217 : memref<32x1024xf32, #tpu.memory_space<vmem>>) offsets(%dma_start3A_219 : memref<32xi32, #tpu.memory_space<vmem>>) semaphore(%arg7 : memref<!tpu.dma_semaphore, #tpu.memory_space<semaphore_mem>>)
    %dma_wait3A_223 = arith.constant 1 : i32
    %dma_wait3A_224 = arith.constant 0 : i32
    %dma_wait3A_225 = arith.constant 0 : i32
    %dma_wait3A_226 = tpu.memref_slice %arg6[%dma_wait3A_223, %dma_wait3A_224, %dma_wait3A_225] : memref<3x32x1024xf32, #tpu.memory_space<vmem>> -> memref<1x32x1024xf32, #tpu.memory_space<vmem>>
    %dma_wait3A_227 = tpu.memref_squeeze %dma_wait3A_226 : memref<1x32x1024xf32, #tpu.memory_space<vmem>> -> memref<32x1024xf32, #tpu.memory_space<vmem>>
    %dma_wait3A_228 = arith.constant 128 : i32
    %dma_wait3A_229 = tpu.memref_slice %arg5[%dma_wait3A_228] : memref<256xi32, #tpu.memory_space<vmem>> -> memref<32xi32, #tpu.memory_space<vmem>>
    %dma_wait3A_230 = arith.constant 0 : i32
    %dma_wait3A_231 = arith.constant 0 : i32
    %dma_wait3A_232 = tpu.memref_slice %arg3[%dma_wait3A_230, %dma_wait3A_231] : memref<100000x1024xf32, #tpu.memory_space<hbm>> -> memref<100000x1024xf32, #tpu.memory_space<hbm>>
    tpu.wait_indirect_dma semaphore(%arg8 : memref<!tpu.dma_semaphore, #tpu.memory_space<semaphore_mem>>) src(%dma_wait3A_232 : memref<100000x1024xf32, #tpu.memory_space<hbm>>) dst(%dma_wait3A_227 : memref<32x1024xf32, #tpu.memory_space<vmem>>)
    %add3A_233 = arith.constant 128 : i32
    %add3A_234 = arith.addi %mul3A_2, %add3A_233 : i32
    %dma_start3A_235 = arith.constant 1 : i32
    %dma_start3A_236 = arith.constant 0 : i32
    %dma_start3A_237 = arith.constant 0 : i32
    %dma_start3A_238 = tpu.memref_slice %arg6[%dma_start3A_235, %dma_start3A_236, %dma_start3A_237] : memref<3x32x1024xf32, #tpu.memory_space<vmem>> -> memref<1x32x1024xf32, #tpu.memory_space<vmem>>
    %dma_start3A_239 = tpu.memref_squeeze %dma_start3A_238 : memref<1x32x1024xf32, #tpu.memory_space<vmem>> -> memref<32x1024xf32, #tpu.memory_space<vmem>>
    %dma_start3A_240 = arith.constant 0 : i32
    %dma_start3A_241 = tpu.memref_slice %arg4[%add3A_234, %dma_start3A_240] : memref<8192x1024xf32, #tpu.memory_space<hbm>> -> memref<32x1024xf32, #tpu.memory_space<hbm>>
    %dma_start3A_242 = arith.constant 0 : i32
    %dma_start3A_243 = tpu.memref_slice %arg4[%add3A_234, %dma_start3A_242] : memref<8192x1024xf32, #tpu.memory_space<hbm>> -> memref<32x1024xf32, #tpu.memory_space<hbm>>
    %dma_start3A_244 = arith.constant 0 : i32
    %dma_start3A_245 = arith.constant 0 : i32
    %dma_start3A_246 = tpu.memref_slice %arg6[%dma_start3A_235, %dma_start3A_244, %dma_start3A_245] : memref<3x32x1024xf32, #tpu.memory_space<vmem>> -> memref<1x32x1024xf32, #tpu.memory_space<vmem>>
    %dma_start3A_247 = tpu.memref_squeeze %dma_start3A_246 : memref<1x32x1024xf32, #tpu.memory_space<vmem>> -> memref<32x1024xf32, #tpu.memory_space<vmem>>
    tpu.enqueue_dma source(%dma_start3A_247 : memref<32x1024xf32, #tpu.memory_space<vmem>>) target(%dma_start3A_243 : memref<32x1024xf32, #tpu.memory_space<hbm>>) target_semaphore(%arg11 : memref<!tpu.dma_semaphore, #tpu.memory_space<semaphore_mem>>)
    %dma_wait3A_248 = arith.constant 1 : i32
    %dma_wait3A_249 = arith.constant 0 : i32
    %dma_wait3A_250 = arith.constant 0 : i32
    %dma_wait3A_251 = tpu.memref_slice %arg6[%dma_wait3A_248, %dma_wait3A_249, %dma_wait3A_250] : memref<3x32x1024xf32, #tpu.memory_space<vmem>> -> memref<1x32x1024xf32, #tpu.memory_space<vmem>>
    %dma_wait3A_252 = tpu.memref_squeeze %dma_wait3A_251 : memref<1x32x1024xf32, #tpu.memory_space<vmem>> -> memref<32x1024xf32, #tpu.memory_space<vmem>>
    %dma_wait3A_253 = arith.constant 0 : i32
    %dma_wait3A_254 = tpu.memref_slice %arg4[%add3A_234, %dma_wait3A_253] : memref<8192x1024xf32, #tpu.memory_space<hbm>> -> memref<32x1024xf32, #tpu.memory_space<hbm>>
    %dma_wait3A_255 = arith.constant 0 : i32
    %dma_wait3A_256 = tpu.memref_slice %arg4[%add3A_234, %dma_wait3A_255] : memref<8192x1024xf32, #tpu.memory_space<hbm>> -> memref<32x1024xf32, #tpu.memory_space<hbm>>
    %dma_wait3A_257 = arith.constant 0 : i32
    %dma_wait3A_258 = arith.constant 0 : i32
    %dma_wait3A_259 = tpu.memref_slice %arg6[%dma_wait3A_248, %dma_wait3A_257, %dma_wait3A_258] : memref<3x32x1024xf32, #tpu.memory_space<vmem>> -> memref<1x32x1024xf32, #tpu.memory_space<vmem>>
    %dma_wait3A_260 = tpu.memref_squeeze %dma_wait3A_259 : memref<1x32x1024xf32, #tpu.memory_space<vmem>> -> memref<32x1024xf32, #tpu.memory_space<vmem>>
    tpu.wait_dma2 semaphore(%arg11 : memref<!tpu.dma_semaphore, #tpu.memory_space<semaphore_mem>>) src(%dma_wait3A_260 : memref<32x1024xf32, #tpu.memory_space<vmem>>) dst(%dma_wait3A_256 : memref<32x1024xf32, #tpu.memory_space<hbm>>)
    %dma_start3A_261 = arith.constant 1 : i32
    %dma_start3A_262 = arith.constant 0 : i32
    %dma_start3A_263 = arith.constant 0 : i32
    %dma_start3A_264 = tpu.memref_slice %arg6[%dma_start3A_261, %dma_start3A_262, %dma_start3A_263] : memref<3x32x1024xf32, #tpu.memory_space<vmem>> -> memref<1x32x1024xf32, #tpu.memory_space<vmem>>
    %dma_start3A_265 = tpu.memref_squeeze %dma_start3A_264 : memref<1x32x1024xf32, #tpu.memory_space<vmem>> -> memref<32x1024xf32, #tpu.memory_space<vmem>>
    %dma_start3A_266 = arith.constant 224 : i32
    %dma_start3A_267 = tpu.memref_slice %arg5[%dma_start3A_266] : memref<256xi32, #tpu.memory_space<vmem>> -> memref<32xi32, #tpu.memory_space<vmem>>
    %dma_start3A_268 = arith.constant 0 : i32
    %dma_start3A_269 = arith.constant 0 : i32
    %dma_start3A_270 = tpu.memref_slice %arg3[%dma_start3A_268, %dma_start3A_269] : memref<100000x1024xf32, #tpu.memory_space<hbm>> -> memref<100000x1024xf32, #tpu.memory_space<hbm>>
    tpu.enqueue_indirect_dma source(%dma_start3A_270 : memref<100000x1024xf32, #tpu.memory_space<hbm>>) target(%dma_start3A_265 : memref<32x1024xf32, #tpu.memory_space<vmem>>) offsets(%dma_start3A_267 : memref<32xi32, #tpu.memory_space<vmem>>) semaphore(%arg8 : memref<!tpu.dma_semaphore, #tpu.memory_space<semaphore_mem>>)
    %dma_wait3A_271 = arith.constant 2 : i32
    %dma_wait3A_272 = arith.constant 0 : i32
    %dma_wait3A_273 = arith.constant 0 : i32
    %dma_wait3A_274 = tpu.memref_slice %arg6[%dma_wait3A_271, %dma_wait3A_272, %dma_wait3A_273] : memref<3x32x1024xf32, #tpu.memory_space<vmem>> -> memref<1x32x1024xf32, #tpu.memory_space<vmem>>
    %dma_wait3A_275 = tpu.memref_squeeze %dma_wait3A_274 : memref<1x32x1024xf32, #tpu.memory_space<vmem>> -> memref<32x1024xf32, #tpu.memory_space<vmem>>
    %dma_wait3A_276 = arith.constant 160 : i32
    %dma_wait3A_277 = tpu.memref_slice %arg5[%dma_wait3A_276] : memref<256xi32, #tpu.memory_space<vmem>> -> memref<32xi32, #tpu.memory_space<vmem>>
    %dma_wait3A_278 = arith.constant 0 : i32
    %dma_wait3A_279 = arith.constant 0 : i32
    %dma_wait3A_280 = tpu.memref_slice %arg3[%dma_wait3A_278, %dma_wait3A_279] : memref<100000x1024xf32, #tpu.memory_space<hbm>> -> memref<100000x1024xf32, #tpu.memory_space<hbm>>
    tpu.wait_indirect_dma semaphore(%arg9 : memref<!tpu.dma_semaphore, #tpu.memory_space<semaphore_mem>>) src(%dma_wait3A_280 : memref<100000x1024xf32, #tpu.memory_space<hbm>>) dst(%dma_wait3A_275 : memref<32x1024xf32, #tpu.memory_space<vmem>>)
    %add3A_281 = arith.constant 160 : i32
    %add3A_282 = arith.addi %mul3A_2, %add3A_281 : i32
    %dma_start3A_283 = arith.constant 2 : i32
    %dma_start3A_284 = arith.constant 0 : i32
    %dma_start3A_285 = arith.constant 0 : i32
    %dma_start3A_286 = tpu.memref_slice %arg6[%dma_start3A_283, %dma_start3A_284, %dma_start3A_285] : memref<3x32x1024xf32, #tpu.memory_space<vmem>> -> memref<1x32x1024xf32, #tpu.memory_space<vmem>>
    %dma_start3A_287 = tpu.memref_squeeze %dma_start3A_286 : memref<1x32x1024xf32, #tpu.memory_space<vmem>> -> memref<32x1024xf32, #tpu.memory_space<vmem>>
    %dma_start3A_288 = arith.constant 0 : i32
    %dma_start3A_289 = tpu.memref_slice %arg4[%add3A_282, %dma_start3A_288] : memref<8192x1024xf32, #tpu.memory_space<hbm>> -> memref<32x1024xf32, #tpu.memory_space<hbm>>
    %dma_start3A_290 = arith.constant 0 : i32
    %dma_start3A_291 = tpu.memref_slice %arg4[%add3A_282, %dma_start3A_290] : memref<8192x1024xf32, #tpu.memory_space<hbm>> -> memref<32x1024xf32, #tpu.memory_space<hbm>>
    %dma_start3A_292 = arith.constant 0 : i32
    %dma_start3A_293 = arith.constant 0 : i32
    %dma_start3A_294 = tpu.memref_slice %arg6[%dma_start3A_283, %dma_start3A_292, %dma_start3A_293] : memref<3x32x1024xf32, #tpu.memory_space<vmem>> -> memref<1x32x1024xf32, #tpu.memory_space<vmem>>
    %dma_start3A_295 = tpu.memref_squeeze %dma_start3A_294 : memref<1x32x1024xf32, #tpu.memory_space<vmem>> -> memref<32x1024xf32, #tpu.memory_space<vmem>>
    tpu.enqueue_dma source(%dma_start3A_295 : memref<32x1024xf32, #tpu.memory_space<vmem>>) target(%dma_start3A_291 : memref<32x1024xf32, #tpu.memory_space<hbm>>) target_semaphore(%arg12 : memref<!tpu.dma_semaphore, #tpu.memory_space<semaphore_mem>>)
    %dma_wait3A_296 = arith.constant 0 : i32
    %dma_wait3A_297 = arith.constant 0 : i32
    %dma_wait3A_298 = arith.constant 0 : i32
    %dma_wait3A_299 = tpu.memref_slice %arg6[%dma_wait3A_296, %dma_wait3A_297, %dma_wait3A_298] : memref<3x32x1024xf32, #tpu.memory_space<vmem>> -> memref<1x32x1024xf32, #tpu.memory_space<vmem>>
    %dma_wait3A_300 = tpu.memref_squeeze %dma_wait3A_299 : memref<1x32x1024xf32, #tpu.memory_space<vmem>> -> memref<32x1024xf32, #tpu.memory_space<vmem>>
    %dma_wait3A_301 = arith.constant 192 : i32
    %dma_wait3A_302 = tpu.memref_slice %arg5[%dma_wait3A_301] : memref<256xi32, #tpu.memory_space<vmem>> -> memref<32xi32, #tpu.memory_space<vmem>>
    %dma_wait3A_303 = arith.constant 0 : i32
    %dma_wait3A_304 = arith.constant 0 : i32
    %dma_wait3A_305 = tpu.memref_slice %arg3[%dma_wait3A_303, %dma_wait3A_304] : memref<100000x1024xf32, #tpu.memory_space<hbm>> -> memref<100000x1024xf32, #tpu.memory_space<hbm>>
    tpu.wait_indirect_dma semaphore(%arg7 : memref<!tpu.dma_semaphore, #tpu.memory_space<semaphore_mem>>) src(%dma_wait3A_305 : memref<100000x1024xf32, #tpu.memory_space<hbm>>) dst(%dma_wait3A_300 : memref<32x1024xf32, #tpu.memory_space<vmem>>)
    %add3A_306 = arith.constant 192 : i32
    %add3A_307 = arith.addi %mul3A_2, %add3A_306 : i32
    %dma_start3A_308 = arith.constant 0 : i32
    %dma_start3A_309 = arith.constant 0 : i32
    %dma_start3A_310 = arith.constant 0 : i32
    %dma_start3A_311 = tpu.memref_slice %arg6[%dma_start3A_308, %dma_start3A_309, %dma_start3A_310] : memref<3x32x1024xf32, #tpu.memory_space<vmem>> -> memref<1x32x1024xf32, #tpu.memory_space<vmem>>
    %dma_start3A_312 = tpu.memref_squeeze %dma_start3A_311 : memref<1x32x1024xf32, #tpu.memory_space<vmem>> -> memref<32x1024xf32, #tpu.memory_space<vmem>>
    %dma_start3A_313 = arith.constant 0 : i32
    %dma_start3A_314 = tpu.memref_slice %arg4[%add3A_307, %dma_start3A_313] : memref<8192x1024xf32, #tpu.memory_space<hbm>> -> memref<32x1024xf32, #tpu.memory_space<hbm>>
    %dma_start3A_315 = arith.constant 0 : i32
    %dma_start3A_316 = tpu.memref_slice %arg4[%add3A_307, %dma_start3A_315] : memref<8192x1024xf32, #tpu.memory_space<hbm>> -> memref<32x1024xf32, #tpu.memory_space<hbm>>
    %dma_start3A_317 = arith.constant 0 : i32
    %dma_start3A_318 = arith.constant 0 : i32
    %dma_start3A_319 = tpu.memref_slice %arg6[%dma_start3A_308, %dma_start3A_317, %dma_start3A_318] : memref<3x32x1024xf32, #tpu.memory_space<vmem>> -> memref<1x32x1024xf32, #tpu.memory_space<vmem>>
    %dma_start3A_320 = tpu.memref_squeeze %dma_start3A_319 : memref<1x32x1024xf32, #tpu.memory_space<vmem>> -> memref<32x1024xf32, #tpu.memory_space<vmem>>
    tpu.enqueue_dma source(%dma_start3A_320 : memref<32x1024xf32, #tpu.memory_space<vmem>>) target(%dma_start3A_316 : memref<32x1024xf32, #tpu.memory_space<hbm>>) target_semaphore(%arg10 : memref<!tpu.dma_semaphore, #tpu.memory_space<semaphore_mem>>)
    %dma_wait3A_321 = arith.constant 1 : i32
    %dma_wait3A_322 = arith.constant 0 : i32
    %dma_wait3A_323 = arith.constant 0 : i32
    %dma_wait3A_324 = tpu.memref_slice %arg6[%dma_wait3A_321, %dma_wait3A_322, %dma_wait3A_323] : memref<3x32x1024xf32, #tpu.memory_space<vmem>> -> memref<1x32x1024xf32, #tpu.memory_space<vmem>>
    %dma_wait3A_325 = tpu.memref_squeeze %dma_wait3A_324 : memref<1x32x1024xf32, #tpu.memory_space<vmem>> -> memref<32x1024xf32, #tpu.memory_space<vmem>>
    %dma_wait3A_326 = arith.constant 224 : i32
    %dma_wait3A_327 = tpu.memref_slice %arg5[%dma_wait3A_326] : memref<256xi32, #tpu.memory_space<vmem>> -> memref<32xi32, #tpu.memory_space<vmem>>
    %dma_wait3A_328 = arith.constant 0 : i32
    %dma_wait3A_329 = arith.constant 0 : i32
    %dma_wait3A_330 = tpu.memref_slice %arg3[%dma_wait3A_328, %dma_wait3A_329] : memref<100000x1024xf32, #tpu.memory_space<hbm>> -> memref<100000x1024xf32, #tpu.memory_space<hbm>>
    tpu.wait_indirect_dma semaphore(%arg8 : memref<!tpu.dma_semaphore, #tpu.memory_space<semaphore_mem>>) src(%dma_wait3A_330 : memref<100000x1024xf32, #tpu.memory_space<hbm>>) dst(%dma_wait3A_325 : memref<32x1024xf32, #tpu.memory_space<vmem>>)
    %add3A_331 = arith.constant 224 : i32
    %add3A_332 = arith.addi %mul3A_2, %add3A_331 : i32
    %dma_start3A_333 = arith.constant 1 : i32
    %dma_start3A_334 = arith.constant 0 : i32
    %dma_start3A_335 = arith.constant 0 : i32
    %dma_start3A_336 = tpu.memref_slice %arg6[%dma_start3A_333, %dma_start3A_334, %dma_start3A_335] : memref<3x32x1024xf32, #tpu.memory_space<vmem>> -> memref<1x32x1024xf32, #tpu.memory_space<vmem>>
    %dma_start3A_337 = tpu.memref_squeeze %dma_start3A_336 : memref<1x32x1024xf32, #tpu.memory_space<vmem>> -> memref<32x1024xf32, #tpu.memory_space<vmem>>
    %dma_start3A_338 = arith.constant 0 : i32
    %dma_start3A_339 = tpu.memref_slice %arg4[%add3A_332, %dma_start3A_338] : memref<8192x1024xf32, #tpu.memory_space<hbm>> -> memref<32x1024xf32, #tpu.memory_space<hbm>>
    %dma_start3A_340 = arith.constant 0 : i32
    %dma_start3A_341 = tpu.memref_slice %arg4[%add3A_332, %dma_start3A_340] : memref<8192x1024xf32, #tpu.memory_space<hbm>> -> memref<32x1024xf32, #tpu.memory_space<hbm>>
    %dma_start3A_342 = arith.constant 0 : i32
    %dma_start3A_343 = arith.constant 0 : i32
    %dma_start3A_344 = tpu.memref_slice %arg6[%dma_start3A_333, %dma_start3A_342, %dma_start3A_343] : memref<3x32x1024xf32, #tpu.memory_space<vmem>> -> memref<1x32x1024xf32, #tpu.memory_space<vmem>>
    %dma_start3A_345 = tpu.memref_squeeze %dma_start3A_344 : memref<1x32x1024xf32, #tpu.memory_space<vmem>> -> memref<32x1024xf32, #tpu.memory_space<vmem>>
    tpu.enqueue_dma source(%dma_start3A_345 : memref<32x1024xf32, #tpu.memory_space<vmem>>) target(%dma_start3A_341 : memref<32x1024xf32, #tpu.memory_space<hbm>>) target_semaphore(%arg11 : memref<!tpu.dma_semaphore, #tpu.memory_space<semaphore_mem>>)
    %dma_wait3A_346 = arith.constant 2 : i32
    %dma_wait3A_347 = arith.constant 0 : i32
    %dma_wait3A_348 = arith.constant 0 : i32
    %dma_wait3A_349 = tpu.memref_slice %arg6[%dma_wait3A_346, %dma_wait3A_347, %dma_wait3A_348] : memref<3x32x1024xf32, #tpu.memory_space<vmem>> -> memref<1x32x1024xf32, #tpu.memory_space<vmem>>
    %dma_wait3A_350 = tpu.memref_squeeze %dma_wait3A_349 : memref<1x32x1024xf32, #tpu.memory_space<vmem>> -> memref<32x1024xf32, #tpu.memory_space<vmem>>
    %dma_wait3A_351 = arith.constant 0 : i32
    %dma_wait3A_352 = tpu.memref_slice %arg4[%add3A_282, %dma_wait3A_351] : memref<8192x1024xf32, #tpu.memory_space<hbm>> -> memref<32x1024xf32, #tpu.memory_space<hbm>>
    %dma_wait3A_353 = arith.constant 0 : i32
    %dma_wait3A_354 = tpu.memref_slice %arg4[%add3A_282, %dma_wait3A_353] : memref<8192x1024xf32, #tpu.memory_space<hbm>> -> memref<32x1024xf32, #tpu.memory_space<hbm>>
    %dma_wait3A_355 = arith.constant 0 : i32
    %dma_wait3A_356 = arith.constant 0 : i32
    %dma_wait3A_357 = tpu.memref_slice %arg6[%dma_wait3A_346, %dma_wait3A_355, %dma_wait3A_356] : memref<3x32x1024xf32, #tpu.memory_space<vmem>> -> memref<1x32x1024xf32, #tpu.memory_space<vmem>>
    %dma_wait3A_358 = tpu.memref_squeeze %dma_wait3A_357 : memref<1x32x1024xf32, #tpu.memory_space<vmem>> -> memref<32x1024xf32, #tpu.memory_space<vmem>>
    tpu.wait_dma2 semaphore(%arg12 : memref<!tpu.dma_semaphore, #tpu.memory_space<semaphore_mem>>) src(%dma_wait3A_358 : memref<32x1024xf32, #tpu.memory_space<vmem>>) dst(%dma_wait3A_354 : memref<32x1024xf32, #tpu.memory_space<hbm>>)
    %dma_wait3A_359 = arith.constant 0 : i32
    %dma_wait3A_360 = arith.constant 0 : i32
    %dma_wait3A_361 = arith.constant 0 : i32
    %dma_wait3A_362 = tpu.memref_slice %arg6[%dma_wait3A_359, %dma_wait3A_360, %dma_wait3A_361] : memref<3x32x1024xf32, #tpu.memory_space<vmem>> -> memref<1x32x1024xf32, #tpu.memory_space<vmem>>
    %dma_wait3A_363 = tpu.memref_squeeze %dma_wait3A_362 : memref<1x32x1024xf32, #tpu.memory_space<vmem>> -> memref<32x1024xf32, #tpu.memory_space<vmem>>
    %dma_wait3A_364 = arith.constant 0 : i32
    %dma_wait3A_365 = tpu.memref_slice %arg4[%add3A_307, %dma_wait3A_364] : memref<8192x1024xf32, #tpu.memory_space<hbm>> -> memref<32x1024xf32, #tpu.memory_space<hbm>>
    %dma_wait3A_366 = arith.constant 0 : i32
    %dma_wait3A_367 = tpu.memref_slice %arg4[%add3A_307, %dma_wait3A_366] : memref<8192x1024xf32, #tpu.memory_space<hbm>> -> memref<32x1024xf32, #tpu.memory_space<hbm>>
    %dma_wait3A_368 = arith.constant 0 : i32
    %dma_wait3A_369 = arith.constant 0 : i32
    %dma_wait3A_370 = tpu.memref_slice %arg6[%dma_wait3A_359, %dma_wait3A_368, %dma_wait3A_369] : memref<3x32x1024xf32, #tpu.memory_space<vmem>> -> memref<1x32x1024xf32, #tpu.memory_space<vmem>>
    %dma_wait3A_371 = tpu.memref_squeeze %dma_wait3A_370 : memref<1x32x1024xf32, #tpu.memory_space<vmem>> -> memref<32x1024xf32, #tpu.memory_space<vmem>>
    tpu.wait_dma2 semaphore(%arg10 : memref<!tpu.dma_semaphore, #tpu.memory_space<semaphore_mem>>) src(%dma_wait3A_371 : memref<32x1024xf32, #tpu.memory_space<vmem>>) dst(%dma_wait3A_367 : memref<32x1024xf32, #tpu.memory_space<hbm>>)
    %dma_wait3A_372 = arith.constant 1 : i32
    %dma_wait3A_373 = arith.constant 0 : i32
    %dma_wait3A_374 = arith.constant 0 : i32
    %dma_wait3A_375 = tpu.memref_slice %arg6[%dma_wait3A_372, %dma_wait3A_373, %dma_wait3A_374] : memref<3x32x1024xf32, #tpu.memory_space<vmem>> -> memref<1x32x1024xf32, #tpu.memory_space<vmem>>
    %dma_wait3A_376 = tpu.memref_squeeze %dma_wait3A_375 : memref<1x32x1024xf32, #tpu.memory_space<vmem>> -> memref<32x1024xf32, #tpu.memory_space<vmem>>
    %dma_wait3A_377 = arith.constant 0 : i32
    %dma_wait3A_378 = tpu.memref_slice %arg4[%add3A_332, %dma_wait3A_377] : memref<8192x1024xf32, #tpu.memory_space<hbm>> -> memref<32x1024xf32, #tpu.memory_space<hbm>>
    %dma_wait3A_379 = arith.constant 0 : i32
    %dma_wait3A_380 = tpu.memref_slice %arg4[%add3A_332, %dma_wait3A_379] : memref<8192x1024xf32, #tpu.memory_space<hbm>> -> memref<32x1024xf32, #tpu.memory_space<hbm>>
    %dma_wait3A_381 = arith.constant 0 : i32
    %dma_wait3A_382 = arith.constant 0 : i32
    %dma_wait3A_383 = tpu.memref_slice %arg6[%dma_wait3A_372, %dma_wait3A_381, %dma_wait3A_382] : memref<3x32x1024xf32, #tpu.memory_space<vmem>> -> memref<1x32x1024xf32, #tpu.memory_space<vmem>>
    %dma_wait3A_384 = tpu.memref_squeeze %dma_wait3A_383 : memref<1x32x1024xf32, #tpu.memory_space<vmem>> -> memref<32x1024xf32, #tpu.memory_space<vmem>>
    tpu.wait_dma2 semaphore(%arg11 : memref<!tpu.dma_semaphore, #tpu.memory_space<semaphore_mem>>) src(%dma_wait3A_384 : memref<32x1024xf32, #tpu.memory_space<vmem>>) dst(%dma_wait3A_380 : memref<32x1024xf32, #tpu.memory_space<hbm>>)
    return
  }
}

</mosaic_0001>

<sc_bundles>
// kernel: kernel.3.cloned.1.call-start
scs
__scs_entry_jumppad:
0x0: {  	(pc) =	sbr.rel $0x88, $3  }
0x1: {  	(tag) =	ssettag $0x0;
	lr =	simm.s32 $0x1  }
0x2: {  	[smem:$0x3F9F] =	sst lr;
	_ =	strace $0xD0000000  }
0x3: {  	_ = 	snop  }
0x4: {  	_ = 	snop  }
0x5: {  	_ = 	snop  }
0x6: {  	_ = 	snop  }
0x7: {  	_ = 	snop  }
__scs_overlays_trampoline_lowered:
0x8: {  	[smem:$0x3FAE] =	sst s0  }
0x9: {  	[smem:$0x3FAF] =	sst s1  }
0xa: {  	[smem:$0x3FB0] =	sst s2  }
0xb: {  	[smem:$0x3FB1] =	sst s3  }
0xc: {  	[smem:$0x3FB2] =	sst s4  }
0xd: {  	[smem:$0x3FB3] =	sst s5  }
0xe: {  	[smem:$0x3FB4] =	sst s6  }
0xf: {  	[smem:$0x3FB5] =	sst s7  }
0x10: {  	[smem:$0x3FB6] =	sst s8  }
0x11: {  	[smem:$0x3FB7] =	sst s9;
	s0 =	simm.s32 @!p0 $0x0  }
0x12: {  	s1 =	sld [smem:$0x3F9D];
	s0 =	simm.s32 @p0 $0x1  }
0x13: {  	[smem:$0x3FB8] =	sst s0;
	s0 =	simm.s32 @!p1 $0x0  }
0x14: {  	s2 =	sld [smem:$0x3F9C];
	s0 =	simm.s32 @p1 $0x1  }
0x15: {  	[smem:$0x3FB9] =	sst s0;
	s0 =	simm.s32 @!p2 $0x0  }
0x16: {  	s3 =	sld [smem:$0x3FDB];
	s0 =	simm.s32 @p2 $0x1  }
0x17: {  	s4 =	simm.s32 $0x1BF5;
	[smem:$0x3FBB] =	sst s0  }
0x18: {  	s0 =	sld [smem:$0x3F9E];
	_ =	swait.ge [sflag:s4], $0x0  }
0x19: {  	s7 =	sld [smem:$0x3F9F]  }
0x1a: {  	s8 =	sadd.s32 $0xFFFFE003, lr  }
0x1b: {  	s9 =	sadd.s32 $0xFFFFFEF7, lr;
	s5 =	simm.s32 $0xFFFFFFFF;
	p2 =	slt.u32 s8, $0xFFFFF086  }
0x1c: {  	p1 =	slt.u32 s9, $0xF7A;
	s5 =	simm.s32 @!p2 $0x0  }
0x1d: {  	s5 =	simm.s32 @p1 $0x1;
	p0 =	seq.s32 s7, s2  }
0x1e: {  	s7 =	smul.u32 @!p0 $0xF7A, s2;
	p2 =	seq.s32 @!p0 s5, $0x0  }
0x1f: {  	s9 =	smul.u32 $0xF7A, s1;
	s8 =	simm.s32 @!p0 $0x1BF5;
	p2 =	por !p2, p0  }
0x20: {  	[sflag:s8] =	ssyncset.s32 @!p0 $0xFFFFF086;
	s6 =	sadd.s32 @!p0 s3, s7;
	s7 =	simm.s32 @!p0 $0x108  }
0x21: {  	s3 =	sadd.s32 s3, s9;
	s6 =	sadd.s32 @!p0 $0x88, s6;
	s7 =	simm.s32 @p2 $0x1082  }
0x22: {  	[simem:s7], [sflag:s8] =	dma.local @!p0 [hbm:s6], $0xF7A  }
0x23: {  	s9 =	sor.u32 $0xD0000000, s2;
	s6 =	simm.s32 $0x108;
	_ =	swait.ge @!p0 [sflag:s8], $0x0  }
0x24: {  	s3 =	sadd.s32 $0x88, s3;
	s6 =	simm.s32 @!p1 $0x1082;
	[sflag:s4] =	ssyncset.s32 $0xFFFFF086  }
0x25: {  	[simem:s6], [sflag:s4] =	dma.local [hbm:s3], $0xF7A  }
0x26: {  	[smem:$0x3F9F] =	sst s1;
	(tag) =	ssettag s2;
	_ =	strace s9  }
0x27: {  	s1 =	sld [smem:$0x3FAF]  }
0x28: {  	s2 =	sld [smem:$0x3FB0]  }
0x29: {  	s4 =	sld [smem:$0x3FB2]  }
0x2a: {  	p0 =	seq.s32 s5, $0x0;
	s5 =	sld [smem:$0x3FB3]  }
0x2b: {  	s6 =	sld [smem:$0x3FB4]  }
0x2c: {  	s7 =	sld [smem:$0x3FB5]  }
0x2d: {  	s3 =	simm.s32 $0x108;
	s8 =	sld [smem:$0x3FB6]  }
0x2e: {  	s3 =	simm.s32 @!p0 $0x1082;
	s9 =	sld [smem:$0x3FB7]  }
0x2f: {  	lr =	sadd.s32 s0, s3;
	s0 =	sld [smem:$0x3FAE]  }
0x30: {  	s3 =	sld [smem:$0x3FB1]  }
0x31: {  	[smem:$0x3FBA] =	sst s10  }
0x32: {  	s10 =	sld [smem:$0x3FB8];
	_ =	sdelay $0x3  }
0x33: {  	p0 =	seq.s32 s10, $0x1;
	s10 =	sld [smem:$0x3FBA];
	_ =	sdelay $0x3  }
0x34: {  	[smem:$0x3FBA] =	sst s10  }
0x35: {  	s10 =	sld [smem:$0x3FB9];
	_ =	sdelay $0x3  }
0x36: {  	p1 =	seq.s32 s10, $0x1;
	s10 =	sld [smem:$0x3FBA];
	_ =	sdelay $0x3  }
0x37: {  	[smem:$0x3FBA] =	sst s10  }
0x38: {  	s10 =	sld [smem:$0x3FBB]  }
0x39: {  	_ = 	snop;
	(pc) =	sbr.ind lr, $3  }
0x3a: {  	_ = 	snop  }
0x3b: {  	_ = 	snop  }
0x3c: {  	p2 =	seq.s32 s10, $0x1;
	s10 =	sld [smem:$0x3FBA]  }
0x3d: {  	_ =	shalt  }
0x3e: {  	_ =	shalt  }
0x3f: {  	_ =	shalt  }
0x40: {  	_ =	shalt  }
0x41: {  	_ =	shalt  }
0x42: {  	_ =	shalt  }
0x43: {  	_ =	shalt  }
0x44: {  	_ =	shalt  }
0x45: {  	_ =	shalt  }
0x46: {  	_ =	shalt  }
0x47: {  	_ =	shalt  }
0x48: {  	_ =	shalt  }
0x49: {  	_ =	shalt  }
0x4a: {  	_ =	shalt  }
0x4b: {  	_ =	shalt  }
0x4c: {  	_ =	shalt  }
0x4d: {  	_ =	shalt  }
0x4e: {  	_ =	shalt  }
0x4f: {  	_ =	shalt  }
0x50: {  	_ =	shalt  }
0x51: {  	_ =	shalt  }
0x52: {  	_ =	shalt  }
0x53: {  	_ =	shalt  }
0x54: {  	_ =	shalt  }
0x55: {  	_ =	shalt  }
0x56: {  	_ =	shalt  }
0x57: {  	_ =	shalt  }
0x58: {  	_ =	shalt  }
0x59: {  	_ =	shalt  }
0x5a: {  	_ =	shalt  }
0x5b: {  	_ =	shalt  }
0x5c: {  	_ =	shalt  }
0x5d: {  	_ =	shalt  }
0x5e: {  	_ =	shalt  }
0x5f: {  	_ =	shalt  }
0x60: {  	_ =	shalt  }
0x61: {  	_ =	shalt  }
0x62: {  	_ =	shalt  }
0x63: {  	_ =	shalt  }
0x64: {  	_ =	shalt  }
0x65: {  	_ =	shalt  }
0x66: {  	_ =	shalt  }
0x67: {  	_ =	shalt  }
0x68: {  	_ =	shalt  }
0x69: {  	_ =	shalt  }
0x6a: {  	_ =	shalt  }
0x6b: {  	_ =	shalt  }
0x6c: {  	_ =	shalt  }
0x6d: {  	_ =	shalt  }
0x6e: {  	_ =	shalt  }
0x6f: {  	_ =	shalt  }
0x70: {  	_ =	shalt  }
0x71: {  	_ =	shalt  }
0x72: {  	_ =	shalt  }
0x73: {  	_ =	shalt  }
0x74: {  	_ =	shalt  }
0x75: {  	_ =	shalt  }
0x76: {  	_ =	shalt  }
0x77: {  	_ =	shalt  }
0x78: {  	_ =	shalt  }
0x79: {  	_ =	shalt  }
0x7a: {  	_ =	shalt  }
0x7b: {  	_ =	shalt  }
0x7c: {  	_ =	shalt  }
0x7d: {  	_ =	shalt  }
0x7e: {  	_ =	shalt  }
0x7f: {  	_ =	shalt  }
0x80: {  	_ =	shalt  }
0x81: {  	_ =	shalt  }
0x82: {  	_ =	shalt  }
0x83: {  	_ =	shalt  }
0x84: {  	_ =	shalt  }
0x85: {  	_ =	shalt  }
0x86: {  	_ =	shalt  }
0x87: {  	_ =	shalt  }
.Lfunc_end0:
.L_simem_size_0:
called_computation_lowered:
.L_overlay_start_0:
0x88: {  	s2 =	sld [smem:$0x3FD9]  }
0x89: {  	s3 =	sld [smem:$0x3FFE];
	_ =	sdelay $0x1  }
0x8a: {  	s1 =	srdreg.scid  }
0x8b: {  	s0 =	sand.u32 $0x1, s1  }
0x8c: {  	s18 =	sshll.u32 s0, $0xA;
	s2 =	sadd.s32 s3, s2  }
0x8d: {  	s2 =	sadd.s32 s2, s18  }
0x8e: {  	[smem:$0x3FC6] =	sst s2  }
0x8f: {  	_ = 	snop  }
0x90: {  	s2 =	sld [smem:$0x3FC9]  }
0x91: {  	s19 =	sld [smem:$0x3FC8]  }
0x92: {  	s4 =	sld [smem:$0x3FD0];
	(tm) =	ssettm $0x1  }
0x93: {  	s5 =	sld [smem:$0x3FFB];
	_ =	sdelay $0x3  }
0x94: {  	_ =	strace s5  }
0x95: {  	s5 =	sld [smem:$0x3FFC];
	_ =	sdelay $0x3  }
0x96: {  	_ =	strace s5  }
0x97: {  	s5 =	sld [smem:$0x3FFD];
	_ =	sdelay $0x3  }
0x98: {  	_ =	strace s5  }
0x99: {  	_ =	strace $0x8FFFFFFF  }
0x9a: {  	s20 =	sld [smem:$0x3FDB];
	_ =	sdelay $0x1  }
0x9b: {  	s6 =	simm.s32 $_scs_section_size  }
0x9c: {  	s7 =	simm.s32 $_size__tile_overlayer_lowered;
	s8 =	simm.s32 $_tile_overlayer_lowered  }
0x9d: {  	s23 =	simm.s32 $0x1BFF;
	s22 =	sshll.u32 s8, $0x1;
	s5 =	sadd.s32 s6, s20  }
0x9e: {  	s9 =	simm.s32 $0x0;
	s21 =	sshll.u32 s7, $0x1;
	s7 =	sadd.s32 s22, s5  }
0x9f: {  	[timem:s9], [sflag:s23] =	dma.local [hbm:s7], s21  }
0xa0: {  	_ =	swait.ge [sflag:s23], s21  }
0xa1: {  	s6 =	ssub.s32 $0x0, s21;
	[sflag:s23] =	ssyncset.done $0x0  }
0xa2: {  	[sflag:s23] =	ssyncadd.s32 s6;
	_ =	sdelay $0x1  }
0xa3: {  	s24 =	simm.s32 $0x1B8B  }
0xa4: {  	_ =	swait.ge [sflag:s24], $0x1  }
0xa5: {  	[sflag:s24] =	ssyncset.done $0x0  }
0xa6: {  	s25 =	simm.s32 $0x1B8E;
	[sflag:s24] =	ssyncadd.s32 $0xFFFFFFFF  }
0xa7: {  	s26 =	simm.s32 $execute0_lowered;
	[smem:$0x3FD2] =	sst s25  }
0xa8: {  	s6 =	sshll.u32 s26, $0x1;
	_ =	strace $0x80000046;
	[dreg:$0x1] =	wrdreg $0xFFFFFFFF  }
0xa9: {  	s28 =	simm.s32 $_size_execute0_lowered;
	s5 =	sadd.s32 s5, s6;
	[dreg:$0x0] =	wrdreg $0x0  }
0xaa: {  	s6 =	sshll.u32 s28, $0x1;
	[dreg:$0x2] =	wrdreg s5  }
0xab: {  	[dreg:$0x3] =	wrdreg s6  }
0xac: {  	[dreg:$0x4] =	wrdreg $0xC0  }
0xad: {  	_ =	task [dreg:s9], $0x5FFFF  }
0xae: {  	[dreg:$0x1] =	wrdreg $0xFFFFFFFF  }
0xaf: {  	[dreg:$0x0] =	wrdreg $0x60  }
0xb0: {  	[dreg:$0x2] =	wrdreg s2  }
0xb1: {  	[dreg:$0x3] =	wrdreg s19  }
0xb2: {  	[dreg:$0x4] =	wrdreg s4  }
0xb3: {  	[dreg:$0x5] =	wrdreg $0x9  }
0xb4: {  	_ =	task.clear_ibuf [dreg:s9], $0x6FFFF;
	_ =	strace $0x90000046  }
0xb5: {  	s29 =	simm.s32 $0x9;
	_ =	strace $0x80000048  }
0xb6: {  	_ =	swait.ge [sflag:s29], $0x1  }
0xb7: {  	[sflag:s29] =	ssyncadd.s32 $0xFFFFFFFF  }
0xb8: {  	_ =	strace $0x90000048  }
0xb9: {  	_ =	sfence  }
0xba: {  	s30 =	sld [smem:$0x0];
	_ =	sdelay $0x2  }
0xbb: {  	s31 =	sshll.u32 s1, $0xD;
	s1 =	sshrl.u32 s1, $0x2  }
0xbc: {  	s3 =	sand.u32 $0x4000, s31;
	s1 =	sadd.s32 s1, s30  }
0xbd: {  	s0 =	sor.u32 s3, s0;
	s1 =	sshll.u32 s1, $0x11  }
0xbe: {  	s0 =	sor.u32 s1, s0  }
0xbf: {  	s0 =	sadd.s32 $0x8F2B, s0  }
0xc0: {  	[sflag:s0] =	ssyncadd.remote.s32 $0x1  }
0xc1: {  	_ =	sfence.sel $0xFFFF  }
0xc2: {  	[dreg:$0x0] =	wrdreg $0xFFFFFFFF;
	(pc) =	sbr.abs _section_cstart, $3  }
0xc3: {  	[dreg:$0x1] =	wrdreg $0xFFFFFFFF  }
0xc4: {  	_ =	task.clear_ibuf [dreg:s9], $0x2FFFF;
	_ =	strace $0x9FFFFFFF  }
0xc5: {  	(tm) =	ssettm $0x7FFFFFFF  }
tec
execute0_lowered:
.L_overlay_start_1:
0x0: {  	(tag) =	ssettag $0x1  }
0x1: {  	s0 =	rddreg [dreg:$0x0]  }
0x2: {  	s1 =	srdreg.scid;
	s2 =	rddreg [dreg:$0x1]  }
0x3: {  	s3 =	stileid.u32;
	s4 =	rddreg [dreg:$0x2];
	s31 =	simm.s32 $0x3  }
0x4: {  	s9 =	simm.s32 $0x11900;
	s10 =	simm.s32 $0x12100;
	s11 =	simm.s32 $0x12900  }
0x5: {  	s12 =	simm.s32 $0x13100;
	s13 =	simm.s32 $0x13900;
	s14 =	simm.s32 $0x14100  }
0x6: {  	s15 =	simm.s32 $0x14900;
	s16 =	simm.s32 $0x15100;
	s1 =	sand.u32 $0x1, s1  }
0x7: {  	s17 =	simm.s32 $0x15900;
	s5 =	sshll.u32 s3, $0x9;
	s6 =	sshll.u32 s1, $0x8  }
0x8: {  	s18 =	simm.s32 $0x16100;
	s28 =	simm.s32 $0x16900;
	s5 =	sor.u32 s6, s5  }
0x9: {  	s29 =	simm.s32 $0x17100;
	s3 =	simm.s32 $0x0;
	s6 =	sshrl.u32 s5, $0x3  }
0xa: {  	[smem:$0x7FF] =	sst s3;
	s5 =	sshll.u32 s5, $0x7;
	s0 =	sadd.s32 s0, s6  }
0xb: {  	_ =	strace $0x80000047;
	s8 =	sadd.s32 s4, s5;
	[dreg:$0x4] =	wrdreg s0  }
0xc: {  	s30 =	simm.s32 $0x17900;
	s19 =	sadd.s32 $0x1000, s8;
	[dreg:$0xc] =	wrdreg s8  }
0xd: {  	s7 =	sadd.s32 $0x300, s2;
	s20 =	sadd.s32 $0x2000, s8;
	[dreg:$0x5] =	wrdreg s19  }
0xe: {  	s1 =	ssub.s32 $0x2, s1;
	s22 =	sadd.s32 $0x3000, s8;
	[dreg:$0x6] =	wrdreg s20  }
0xf: {  	s21 =	sshrl.u32 s1, $0x1;
	s23 =	sadd.s32 $0x4000, s8;
	[dreg:$0x7] =	wrdreg s22  }
0x10: {  	s1 =	ssub.s32 s1, s21;
	s24 =	sadd.s32 $0x5000, s8;
	[dreg:$0x8] =	wrdreg s23  }
0x11: {  	s21 =	simm.s32 $0x2;
	s25 =	sadd.s32 $0x6000, s8;
	[dreg:$0x9] =	wrdreg s24  }
0x12: {  	s5 =	sadd.s32 $0x100, s2;
	s26 =	sadd.s32 $0x7000, s8;
	[dreg:$0xa] =	wrdreg s25  }
0x13: {  	v2 =	vlaneseq.u32;
	s6 =	sadd.s32 $0x200, s2;
	s8 =	smax.u32 s1, $0x1;
	[dreg:$0xb] =	wrdreg s26  }
0x14: {  	vm0 =	vmmov $0xffff;
	v1 =	vshrl.u32 v2, $0x3;
	s19 =	simm.s32 $0x1;
	s20 =	simm.s32 $0x4;
	s22 =	simm.s32 $0x5  }
0x15: {  	v0 =	vand.u32 $0x7, v2;
	v2 =	vor.u32 $0x8, v2;
	v1 =	vmul.u32 $0x8, v1;
	s24 =	simm.s32 $0x6;
	s26 =	simm.s32 $0x100;
	s23 =	simm.s32 $0x10900  }
.LBB2_1:
0x16: {  	s25 =	rddreg [dreg:$0x4];
	s4 =	simm.s32 $0x7  }
0x17: {  	[tilespmem:s3], [sflag:$0x7] =	stream.linear.gather [hbm4b:s25+s3], $0x100, $0x38;
	[tilespmem:$0x18100] =	vst v63  }
0x18: {  	_ =	swait.ge [sflag:s4], $0x100  }
0x19: {  	[sflag:s4] =	ssyncset.done $0x0  }
0x1a: {  	[sflag:s4] =	ssyncadd.s32 $0xFFFFFF00  }
0x1b: {  	v3 =	vld [tilespmem:$0x0];
	_ =	sdelay $0x4  }
0x1c: {  	v4 =	vshll.u32 v3, $0x3  }
0x1d: {  	v3 =	vand.u32 $0x7, v3;
	v4 =	vand.u32 $0xFFFFFFC0, v4  }
0x1e: {  	v3 =	vor.u32 v3, v4  }
0x1f: {  	v4 =	vperm.xlane v3, v0;
	_ =	sdelay $0x1  }
0x20: {  	v4 =	vadd.s32 v1, v4;
	_ =	sdelay $0x4  }
0x21: {  	[tilespmem:s26], [sflag:$0x1] =	stream.indirect_vreg.gather [hbm4b:s2+s3], $0x80, v4, vm0, $0xb8;
	[tilespmem:$0x18100] =	vst v63  }
0x22: {  	s0 =	simm.s32 $0x900;
	v3 =	vperm.xlane v3, v2  }
0x23: {  	[tilespmem:s0], [sflag:$0x1] =	stream.indirect_vreg.gather [hbm4b:s5+s3], $0x80, v4, vm0, $0xb8;
	[tilespmem:$0x18100] =	vst v63  }
0x24: {  	s25 =	simm.s32 $0x1100;
	v3 =	vadd.s32 v1, v3  }
0x25: {  	[tilespmem:s25], [sflag:$0x1] =	stream.indirect_vreg.gather [hbm4b:s6+s3], $0x80, v4, vm0, $0xb8;
	[tilespmem:$0x18100] =	vst v63  }
0x26: {  	s1 =	simm.s32 $0x1900  }
0x27: {  	[tilespmem:s1], [sflag:$0x1] =	stream.indirect_vreg.gather [hbm4b:s7+s3], $0x80, v4, vm0, $0xb8;
	[tilespmem:$0x18100] =	vst v63  }
0x28: {  	s4 =	simm.s32 $0x2100  }
0x29: {  	[tilespmem:s4], [sflag:$0x1] =	stream.indirect_vreg.gather [hbm4b:s2+s3], $0x80, v3, vm0, $0xb8;
	[tilespmem:$0x18100] =	vst v63  }
0x2a: {  	s25 =	simm.s32 $0x2900  }
0x2b: {  	[tilespmem:s25], [sflag:$0x1] =	stream.indirect_vreg.gather [hbm4b:s5+s3], $0x80, v3, vm0, $0xb8;
	[tilespmem:$0x18100] =	vst v63  }
0x2c: {  	s1 =	simm.s32 $0x3100  }
0x2d: {  	[tilespmem:s1], [sflag:$0x1] =	stream.indirect_vreg.gather [hbm4b:s6+s3], $0x80, v3, vm0, $0xb8;
	[tilespmem:$0x18100] =	vst v63  }
0x2e: {  	s4 =	simm.s32 $0x3900  }
0x2f: {  	[tilespmem:s4], [sflag:$0x1] =	stream.indirect_vreg.gather [hbm4b:s7+s3], $0x80, v3, vm0, $0xb8;
	[tilespmem:$0x18100] =	vst v63  }
0x30: {  	v3 =	vld [tilespmem:$0x10];
	_ =	sdelay $0x4  }
0x31: {  	v49 =	vshll.u32 v3, $0x3  }
0x32: {  	v3 =	vand.u32 $0x7, v3;
	v4 =	vand.u32 $0xFFFFFFC0, v49  }
0x33: {  	v3 =	vor.u32 v3, v4  }
0x34: {  	v4 =	vperm.xlane v3, v0;
	_ =	sdelay $0x1  }
0x35: {  	v4 =	vadd.s32 v1, v4;
	_ =	sdelay $0x3  }
0x36: {  	s25 =	simm.s32 $0x4100  }
0x37: {  	[tilespmem:s25], [sflag:$0x1] =	stream.indirect_vreg.gather [hbm4b:s2+s3], $0x80, v4, vm0, $0xb8;
	[tilespmem:$0x18100] =	vst v63  }
0x38: {  	s1 =	simm.s32 $0x4900;
	v3 =	vperm.xlane v3, v2  }
0x39: {  	[tilespmem:s1], [sflag:$0x1] =	stream.indirect_vreg.gather [hbm4b:s5+s3], $0x80, v4, vm0, $0xb8;
	[tilespmem:$0x18100] =	vst v63  }
0x3a: {  	s4 =	simm.s32 $0x5100;
	v3 =	vadd.s32 v1, v3  }
0x3b: {  	[tilespmem:s4], [sflag:$0x1] =	stream.indirect_vreg.gather [hbm4b:s6+s3], $0x80, v4, vm0, $0xb8;
	[tilespmem:$0x18100] =	vst v63  }
0x3c: {  	s25 =	simm.s32 $0x5900  }
0x3d: {  	[tilespmem:s25], [sflag:$0x1] =	stream.indirect_vreg.gather [hbm4b:s7+s3], $0x80, v4, vm0, $0xb8;
	[tilespmem:$0x18100] =	vst v63  }
0x3e: {  	s1 =	simm.s32 $0x6100  }
0x3f: {  	[tilespmem:s1], [sflag:$0x1] =	stream.indirect_vreg.gather [hbm4b:s2+s3], $0x80, v3, vm0, $0xb8;
	[tilespmem:$0x18100] =	vst v63  }
0x40: {  	s4 =	simm.s32 $0x6900  }
0x41: {  	[tilespmem:s4], [sflag:$0x1] =	stream.indirect_vreg.gather [hbm4b:s5+s3], $0x80, v3, vm0, $0xb8;
	[tilespmem:$0x18100] =	vst v63  }
0x42: {  	s25 =	simm.s32 $0x7100  }
0x43: {  	[tilespmem:s25], [sflag:$0x1] =	stream.indirect_vreg.gather [hbm4b:s6+s3], $0x80, v3, vm0, $0xb8;
	[tilespmem:$0x18100] =	vst v63  }
0x44: {  	s1 =	simm.s32 $0x7900  }
0x45: {  	[tilespmem:s1], [sflag:$0x1] =	stream.indirect_vreg.gather [hbm4b:s7+s3], $0x80, v3, vm0, $0xb8;
	[tilespmem:$0x18100] =	vst v63  }
0x46: {  	v3 =	vld [tilespmem:$0x20];
	_ =	sdelay $0x4  }
0x47: {  	v50 =	vshll.u32 v3, $0x3  }
0x48: {  	v3 =	vand.u32 $0x7, v3;
	v4 =	vand.u32 $0xFFFFFFC0, v50  }
0x49: {  	v3 =	vor.u32 v3, v4  }
0x4a: {  	v4 =	vperm.xlane v3, v0;
	_ =	sdelay $0x1  }
0x4b: {  	v4 =	vadd.s32 v1, v4;
	_ =	sdelay $0x3  }
0x4c: {  	s0 =	simm.s32 $0x8100  }
0x4d: {  	[tilespmem:s0], [sflag:$0x2] =	stream.indirect_vreg.gather [hbm4b:s2+s3], $0x80, v4, vm0, $0xb8;
	[tilespmem:$0x18100] =	vst v63  }
0x4e: {  	s1 =	simm.s32 $0x8900;
	v3 =	vperm.xlane v3, v2  }
0x4f: {  	[tilespmem:s1], [sflag:$0x2] =	stream.indirect_vreg.gather [hbm4b:s5+s3], $0x80, v4, vm0, $0xb8;
	[tilespmem:$0x18100] =	vst v63  }
0x50: {  	s4 =	simm.s32 $0x9100;
	v3 =	vadd.s32 v1, v3  }
0x51: {  	[tilespmem:s4], [sflag:$0x2] =	stream.indirect_vreg.gather [hbm4b:s6+s3], $0x80, v4, vm0, $0xb8;
	[tilespmem:$0x18100] =	vst v63  }
0x52: {  	s25 =	simm.s32 $0x9900  }
0x53: {  	[tilespmem:s25], [sflag:$0x2] =	stream.indirect_vreg.gather [hbm4b:s7+s3], $0x80, v4, vm0, $0xb8;
	[tilespmem:$0x18100] =	vst v63  }
0x54: {  	s4 =	simm.s32 $0xA100  }
0x55: {  	[tilespmem:s4], [sflag:$0x2] =	stream.indirect_vreg.gather [hbm4b:s2+s3], $0x80, v3, vm0, $0xb8;
	[tilespmem:$0x18100] =	vst v63  }
0x56: {  	s25 =	simm.s32 $0xA900  }
0x57: {  	[tilespmem:s25], [sflag:$0x2] =	stream.indirect_vreg.gather [hbm4b:s5+s3], $0x80, v3, vm0, $0xb8;
	[tilespmem:$0x18100] =	vst v63  }
0x58: {  	s4 =	simm.s32 $0xB100  }
0x59: {  	[tilespmem:s4], [sflag:$0x2] =	stream.indirect_vreg.gather [hbm4b:s6+s3], $0x80, v3, vm0, $0xb8;
	[tilespmem:$0x18100] =	vst v63  }
0x5a: {  	s25 =	simm.s32 $0xB900  }
0x5b: {  	[tilespmem:s25], [sflag:$0x2] =	stream.indirect_vreg.gather [hbm4b:s7+s3], $0x80, v3, vm0, $0xb8;
	[tilespmem:$0x18100] =	vst v63  }
0x5c: {  	v3 =	vld [tilespmem:$0x30];
	_ =	sdelay $0x4  }
0x5d: {  	v51 =	vshll.u32 v3, $0x3  }
0x5e: {  	v3 =	vand.u32 $0x7, v3;
	v4 =	vand.u32 $0xFFFFFFC0, v51  }
0x5f: {  	v3 =	vor.u32 v3, v4  }
0x60: {  	v4 =	vperm.xlane v3, v0;
	_ =	sdelay $0x1  }
0x61: {  	v4 =	vadd.s32 v1, v4;
	_ =	sdelay $0x3  }
0x62: {  	s4 =	simm.s32 $0xC100  }
0x63: {  	[tilespmem:s4], [sflag:$0x2] =	stream.indirect_vreg.gather [hbm4b:s2+s3], $0x80, v4, vm0, $0xb8;
	[tilespmem:$0x18100] =	vst v63  }
0x64: {  	s25 =	simm.s32 $0xC900;
	v3 =	vperm.xlane v3, v2  }
0x65: {  	[tilespmem:s25], [sflag:$0x2] =	stream.indirect_vreg.gather [hbm4b:s5+s3], $0x80, v4, vm0, $0xb8;
	[tilespmem:$0x18100] =	vst v63  }
0x66: {  	v3 =	vadd.s32 v1, v3;
	s4 =	simm.s32 $0xD100  }
0x67: {  	[tilespmem:s4], [sflag:$0x2] =	stream.indirect_vreg.gather [hbm4b:s6+s3], $0x80, v4, vm0, $0xb8;
	[tilespmem:$0x18100] =	vst v63  }
0x68: {  	s25 =	simm.s32 $0xD900  }
0x69: {  	[tilespmem:s25], [sflag:$0x2] =	stream.indirect_vreg.gather [hbm4b:s7+s3], $0x80, v4, vm0, $0xb8;
	[tilespmem:$0x18100] =	vst v63  }
0x6a: {  	s4 =	simm.s32 $0xE100  }
0x6b: {  	[tilespmem:s4], [sflag:$0x2] =	stream.indirect_vreg.gather [hbm4b:s2+s3], $0x80, v3, vm0, $0xb8;
	[tilespmem:$0x18100] =	vst v63  }
0x6c: {  	s25 =	simm.s32 $0xE900  }
0x6d: {  	[tilespmem:s25], [sflag:$0x2] =	stream.indirect_vreg.gather [hbm4b:s5+s3], $0x80, v3, vm0, $0xb8;
	[tilespmem:$0x18100] =	vst v63  }
0x6e: {  	s4 =	simm.s32 $0xF100  }
0x6f: {  	[tilespmem:s4], [sflag:$0x2] =	stream.indirect_vreg.gather [hbm4b:s6+s3], $0x80, v3, vm0, $0xb8;
	[tilespmem:$0x18100] =	vst v63  }
0x70: {  	s25 =	simm.s32 $0xF900  }
0x71: {  	[tilespmem:s25], [sflag:$0x2] =	stream.indirect_vreg.gather [hbm4b:s7+s3], $0x80, v3, vm0, $0xb8;
	[tilespmem:$0x18100] =	vst v63  }
0x72: {  	v3 =	vld [tilespmem:$0x40];
	_ =	sdelay $0x4  }
0x73: {  	v52 =	vshll.u32 v3, $0x3  }
0x74: {  	v3 =	vand.u32 $0x7, v3;
	v4 =	vand.u32 $0xFFFFFFC0, v52  }
0x75: {  	v3 =	vor.u32 v3, v4  }
0x76: {  	v4 =	vperm.xlane v3, v0;
	_ =	sdelay $0x1  }
0x77: {  	v4 =	vadd.s32 v1, v4;
	_ =	sdelay $0x3  }
0x78: {  	s1 =	simm.s32 $0x10100  }
0x79: {  	[tilespmem:s1], [sflag:$0x3] =	stream.indirect_vreg.gather [hbm4b:s2+s3], $0x80, v4, vm0, $0xb8;
	[tilespmem:$0x18100] =	vst v63  }
0x7a: {  	v3 =	vperm.xlane v3, v2  }
0x7b: {  	[tilespmem:s23], [sflag:$0x3] =	stream.indirect_vreg.gather [hbm4b:s5+s3], $0x80, v4, vm0, $0xb8;
	[tilespmem:$0x18100] =	vst v63  }
0x7c: {  	s4 =	simm.s32 $0x11100;
	v3 =	vadd.s32 v1, v3  }
0x7d: {  	[tilespmem:s4], [sflag:$0x3] =	stream.indirect_vreg.gather [hbm4b:s6+s3], $0x80, v4, vm0, $0xb8;
	[tilespmem:$0x18100] =	vst v63  }
0x7e: {  	_ = 	snop  }
0x7f: {  	[tilespmem:s9], [sflag:$0x3] =	stream.indirect_vreg.gather [hbm4b:s7+s3], $0x80, v4, vm0, $0xb8;
	[tilespmem:$0x18100] =	vst v63  }
0x80: {  	_ = 	snop  }
0x81: {  	[tilespmem:s10], [sflag:$0x3] =	stream.indirect_vreg.gather [hbm4b:s2+s3], $0x80, v3, vm0, $0xb8;
	[tilespmem:$0x18100] =	vst v63  }
0x82: {  	_ = 	snop  }
0x83: {  	[tilespmem:s11], [sflag:$0x3] =	stream.indirect_vreg.gather [hbm4b:s5+s3], $0x80, v3, vm0, $0xb8;
	[tilespmem:$0x18100] =	vst v63  }
0x84: {  	_ = 	snop  }
0x85: {  	[tilespmem:s12], [sflag:$0x3] =	stream.indirect_vreg.gather [hbm4b:s6+s3], $0x80, v3, vm0, $0xb8;
	[tilespmem:$0x18100] =	vst v63  }
0x86: {  	_ = 	snop  }
0x87: {  	[tilespmem:s13], [sflag:$0x3] =	stream.indirect_vreg.gather [hbm4b:s7+s3], $0x80, v3, vm0, $0xb8;
	[tilespmem:$0x18100] =	vst v63  }
0x88: {  	v3 =	vld [tilespmem:$0x50];
	_ =	sdelay $0x4  }
0x89: {  	v53 =	vshll.u32 v3, $0x3  }
0x8a: {  	v3 =	vand.u32 $0x7, v3;
	v4 =	vand.u32 $0xFFFFFFC0, v53  }
0x8b: {  	v3 =	vor.u32 v3, v4  }
0x8c: {  	v4 =	vperm.xlane v3, v0;
	_ =	sdelay $0x1  }
0x8d: {  	v4 =	vadd.s32 v1, v4;
	_ =	sdelay $0x4  }
0x8e: {  	[tilespmem:s14], [sflag:$0x3] =	stream.indirect_vreg.gather [hbm4b:s2+s3], $0x80, v4, vm0, $0xb8;
	[tilespmem:$0x18100] =	vst v63  }
0x8f: {  	v3 =	vperm.xlane v3, v2  }
0x90: {  	[tilespmem:s15], [sflag:$0x3] =	stream.indirect_vreg.gather [hbm4b:s5+s3], $0x80, v4, vm0, $0xb8;
	[tilespmem:$0x18100] =	vst v63  }
0x91: {  	v3 =	vadd.s32 v1, v3  }
0x92: {  	[tilespmem:s16], [sflag:$0x3] =	stream.indirect_vreg.gather [hbm4b:s6+s3], $0x80, v4, vm0, $0xb8;
	[tilespmem:$0x18100] =	vst v63  }
0x93: {  	_ = 	snop  }
0x94: {  	[tilespmem:s17], [sflag:$0x3] =	stream.indirect_vreg.gather [hbm4b:s7+s3], $0x80, v4, vm0, $0xb8;
	[tilespmem:$0x18100] =	vst v63  }
0x95: {  	_ = 	snop  }
0x96: {  	[tilespmem:s18], [sflag:$0x3] =	stream.indirect_vreg.gather [hbm4b:s2+s3], $0x80, v3, vm0, $0xb8;
	[tilespmem:$0x18100] =	vst v63  }
0x97: {  	_ = 	snop  }
0x98: {  	[tilespmem:s28], [sflag:$0x3] =	stream.indirect_vreg.gather [hbm4b:s5+s3], $0x80, v3, vm0, $0xb8;
	[tilespmem:$0x18100] =	vst v63  }
0x99: {  	_ = 	snop  }
0x9a: {  	[tilespmem:s29], [sflag:$0x3] =	stream.indirect_vreg.gather [hbm4b:s6+s3], $0x80, v3, vm0, $0xb8;
	[tilespmem:$0x18100] =	vst v63  }
0x9b: {  	_ = 	snop  }
0x9c: {  	[tilespmem:s30], [sflag:$0x3] =	stream.indirect_vreg.gather [hbm4b:s7+s3], $0x80, v3, vm0, $0xb8;
	[tilespmem:$0x18100] =	vst v63  }
0x9d: {  	_ =	swait.ge [sflag:s19], $0x8000  }
0x9e: {  	[sflag:s19] =	ssyncset.done $0x0  }
0x9f: {  	s25 =	rddreg [dreg:$0xc];
	[sflag:s19] =	ssyncadd.s32 $0xFFFF8000  }
0xa0: {  	[hbm4b:s25+s3] =	stream.linear.scatter [tilespmem:s26], [sflag:$0x4], $0x8000, $0x38;
	[tilespmem:$0x18100] =	vst v63  }
0xa1: {  	_ =	swait.ge [sflag:s20], $0x8000  }
0xa2: {  	[sflag:s20] =	ssyncset.done $0x0  }
0xa3: {  	[sflag:s20] =	ssyncadd.s32 $0xFFFF8000  }
0xa4: {  	v3 =	vld [tilespmem:$0x60];
	_ =	sdelay $0x4  }
0xa5: {  	v54 =	vshll.u32 v3, $0x3  }
0xa6: {  	v3 =	vand.u32 $0x7, v3;
	v4 =	vand.u32 $0xFFFFFFC0, v54  }
0xa7: {  	v3 =	vor.u32 v3, v4  }
0xa8: {  	v4 =	vperm.xlane v3, v0;
	_ =	sdelay $0x1  }
0xa9: {  	v4 =	vadd.s32 v1, v4;
	_ =	sdelay $0x4  }
0xaa: {  	[tilespmem:s26], [sflag:$0x1] =	stream.indirect_vreg.gather [hbm4b:s2+s3], $0x80, v4, vm0, $0xb8;
	[tilespmem:$0x18100] =	vst v63  }
0xab: {  	s25 =	simm.s32 $0x900;
	v3 =	vperm.xlane v3, v2  }
0xac: {  	[tilespmem:s25], [sflag:$0x1] =	stream.indirect_vreg.gather [hbm4b:s5+s3], $0x80, v4, vm0, $0xb8;
	[tilespmem:$0x18100] =	vst v63  }
0xad: {  	v3 =	vadd.s32 v1, v3;
	s25 =	simm.s32 $0x1100  }
0xae: {  	[tilespmem:s25], [sflag:$0x1] =	stream.indirect_vreg.gather [hbm4b:s6+s3], $0x80, v4, vm0, $0xb8;
	[tilespmem:$0x18100] =	vst v63  }
0xaf: {  	s25 =	simm.s32 $0x1900  }
0xb0: {  	[tilespmem:s25], [sflag:$0x1] =	stream.indirect_vreg.gather [hbm4b:s7+s3], $0x80, v4, vm0, $0xb8;
	[tilespmem:$0x18100] =	vst v63  }
0xb1: {  	s25 =	simm.s32 $0x2100  }
0xb2: {  	[tilespmem:s25], [sflag:$0x1] =	stream.indirect_vreg.gather [hbm4b:s2+s3], $0x80, v3, vm0, $0xb8;
	[tilespmem:$0x18100] =	vst v63  }
0xb3: {  	s25 =	simm.s32 $0x2900  }
0xb4: {  	[tilespmem:s25], [sflag:$0x1] =	stream.indirect_vreg.gather [hbm4b:s5+s3], $0x80, v3, vm0, $0xb8;
	[tilespmem:$0x18100] =	vst v63  }
0xb5: {  	s25 =	simm.s32 $0x3100  }
0xb6: {  	[tilespmem:s25], [sflag:$0x1] =	stream.indirect_vreg.gather [hbm4b:s6+s3], $0x80, v3, vm0, $0xb8;
	[tilespmem:$0x18100] =	vst v63  }
0xb7: {  	s25 =	simm.s32 $0x3900  }
0xb8: {  	[tilespmem:s25], [sflag:$0x1] =	stream.indirect_vreg.gather [hbm4b:s7+s3], $0x80, v3, vm0, $0xb8;
	[tilespmem:$0x18100] =	vst v63  }
0xb9: {  	v3 =	vld [tilespmem:$0x70];
	_ =	sdelay $0x4  }
0xba: {  	v55 =	vshll.u32 v3, $0x3  }
0xbb: {  	v3 =	vand.u32 $0x7, v3;
	v4 =	vand.u32 $0xFFFFFFC0, v55  }
0xbc: {  	v3 =	vor.u32 v3, v4  }
0xbd: {  	v4 =	vperm.xlane v3, v0;
	_ =	sdelay $0x1  }
0xbe: {  	v4 =	vadd.s32 v1, v4;
	_ =	sdelay $0x3  }
0xbf: {  	s25 =	simm.s32 $0x4100  }
0xc0: {  	[tilespmem:s25], [sflag:$0x1] =	stream.indirect_vreg.gather [hbm4b:s2+s3], $0x80, v4, vm0, $0xb8;
	[tilespmem:$0x18100] =	vst v63  }
0xc1: {  	v3 =	vperm.xlane v3, v2;
	s25 =	simm.s32 $0x4900  }
0xc2: {  	[tilespmem:s25], [sflag:$0x1] =	stream.indirect_vreg.gather [hbm4b:s5+s3], $0x80, v4, vm0, $0xb8;
	[tilespmem:$0x18100] =	vst v63  }
0xc3: {  	v3 =	vadd.s32 v1, v3;
	s25 =	simm.s32 $0x5100  }
0xc4: {  	[tilespmem:s25], [sflag:$0x1] =	stream.indirect_vreg.gather [hbm4b:s6+s3], $0x80, v4, vm0, $0xb8;
	[tilespmem:$0x18100] =	vst v63  }
0xc5: {  	s25 =	simm.s32 $0x5900  }
0xc6: {  	[tilespmem:s25], [sflag:$0x1] =	stream.indirect_vreg.gather [hbm4b:s7+s3], $0x80, v4, vm0, $0xb8;
	[tilespmem:$0x18100] =	vst v63  }
0xc7: {  	s25 =	simm.s32 $0x6100  }
0xc8: {  	[tilespmem:s25], [sflag:$0x1] =	stream.indirect_vreg.gather [hbm4b:s2+s3], $0x80, v3, vm0, $0xb8;
	[tilespmem:$0x18100] =	vst v63  }
0xc9: {  	s25 =	simm.s32 $0x6900  }
0xca: {  	[tilespmem:s25], [sflag:$0x1] =	stream.indirect_vreg.gather [hbm4b:s5+s3], $0x80, v3, vm0, $0xb8;
	[tilespmem:$0x18100] =	vst v63  }
0xcb: {  	s25 =	simm.s32 $0x7100  }
0xcc: {  	[tilespmem:s25], [sflag:$0x1] =	stream.indirect_vreg.gather [hbm4b:s6+s3], $0x80, v3, vm0, $0xb8;
	[tilespmem:$0x18100] =	vst v63  }
0xcd: {  	s25 =	simm.s32 $0x7900  }
0xce: {  	[tilespmem:s25], [sflag:$0x1] =	stream.indirect_vreg.gather [hbm4b:s7+s3], $0x80, v3, vm0, $0xb8;
	[tilespmem:$0x18100] =	vst v63  }
0xcf: {  	_ =	swait.ge [sflag:s21], $0x8000  }
0xd0: {  	[sflag:s21] =	ssyncset.done $0x0  }
0xd1: {  	s25 =	rddreg [dreg:$0x5];
	[sflag:s21] =	ssyncadd.s32 $0xFFFF8000  }
0xd2: {  	[hbm4b:s25+s3] =	stream.linear.scatter [tilespmem:s0], [sflag:$0x5], $0x8000, $0x38;
	[tilespmem:$0x18100] =	vst v63  }
0xd3: {  	_ =	swait.ge [sflag:s22], $0x8000  }
0xd4: {  	[sflag:s22] =	ssyncset.done $0x0  }
0xd5: {  	[sflag:s22] =	ssyncadd.s32 $0xFFFF8000  }
0xd6: {  	v3 =	vld [tilespmem:$0x80];
	_ =	sdelay $0x4  }
0xd7: {  	v56 =	vshll.u32 v3, $0x3  }
0xd8: {  	v3 =	vand.u32 $0x7, v3;
	v4 =	vand.u32 $0xFFFFFFC0, v56  }
0xd9: {  	v3 =	vor.u32 v3, v4  }
0xda: {  	v4 =	vperm.xlane v3, v0;
	_ =	sdelay $0x1  }
0xdb: {  	v4 =	vadd.s32 v1, v4;
	_ =	sdelay $0x4  }
0xdc: {  	[tilespmem:s0], [sflag:$0x2] =	stream.indirect_vreg.gather [hbm4b:s2+s3], $0x80, v4, vm0, $0xb8;
	[tilespmem:$0x18100] =	vst v63  }
0xdd: {  	s25 =	simm.s32 $0x8900;
	v3 =	vperm.xlane v3, v2  }
0xde: {  	[tilespmem:s25], [sflag:$0x2] =	stream.indirect_vreg.gather [hbm4b:s5+s3], $0x80, v4, vm0, $0xb8;
	[tilespmem:$0x18100] =	vst v63  }
0xdf: {  	v3 =	vadd.s32 v1, v3;
	s25 =	simm.s32 $0x9100  }
0xe0: {  	[tilespmem:s25], [sflag:$0x2] =	stream.indirect_vreg.gather [hbm4b:s6+s3], $0x80, v4, vm0, $0xb8;
	[tilespmem:$0x18100] =	vst v63  }
0xe1: {  	s25 =	simm.s32 $0x9900  }
0xe2: {  	[tilespmem:s25], [sflag:$0x2] =	stream.indirect_vreg.gather [hbm4b:s7+s3], $0x80, v4, vm0, $0xb8;
	[tilespmem:$0x18100] =	vst v63  }
0xe3: {  	s25 =	simm.s32 $0xA100  }
0xe4: {  	[tilespmem:s25], [sflag:$0x2] =	stream.indirect_vreg.gather [hbm4b:s2+s3], $0x80, v3, vm0, $0xb8;
	[tilespmem:$0x18100] =	vst v63  }
0xe5: {  	s25 =	simm.s32 $0xA900  }
0xe6: {  	[tilespmem:s25], [sflag:$0x2] =	stream.indirect_vreg.gather [hbm4b:s5+s3], $0x80, v3, vm0, $0xb8;
	[tilespmem:$0x18100] =	vst v63  }
0xe7: {  	s25 =	simm.s32 $0xB100  }
0xe8: {  	[tilespmem:s25], [sflag:$0x2] =	stream.indirect_vreg.gather [hbm4b:s6+s3], $0x80, v3, vm0, $0xb8;
	[tilespmem:$0x18100] =	vst v63  }
0xe9: {  	s25 =	simm.s32 $0xB900  }
0xea: {  	[tilespmem:s25], [sflag:$0x2] =	stream.indirect_vreg.gather [hbm4b:s7+s3], $0x80, v3, vm0, $0xb8;
	[tilespmem:$0x18100] =	vst v63  }
0xeb: {  	v3 =	vld [tilespmem:$0x90];
	_ =	sdelay $0x4  }
0xec: {  	v57 =	vshll.u32 v3, $0x3  }
0xed: {  	v3 =	vand.u32 $0x7, v3;
	v4 =	vand.u32 $0xFFFFFFC0, v57  }
0xee: {  	v3 =	vor.u32 v3, v4  }
0xef: {  	v4 =	vperm.xlane v3, v0;
	_ =	sdelay $0x1  }
0xf0: {  	v4 =	vadd.s32 v1, v4;
	_ =	sdelay $0x3  }
0xf1: {  	s25 =	simm.s32 $0xC100  }
0xf2: {  	[tilespmem:s25], [sflag:$0x2] =	stream.indirect_vreg.gather [hbm4b:s2+s3], $0x80, v4, vm0, $0xb8;
	[tilespmem:$0x18100] =	vst v63  }
0xf3: {  	v3 =	vperm.xlane v3, v2;
	s25 =	simm.s32 $0xC900  }
0xf4: {  	[tilespmem:s25], [sflag:$0x2] =	stream.indirect_vreg.gather [hbm4b:s5+s3], $0x80, v4, vm0, $0xb8;
	[tilespmem:$0x18100] =	vst v63  }
0xf5: {  	v3 =	vadd.s32 v1, v3;
	s25 =	simm.s32 $0xD100  }
0xf6: {  	[tilespmem:s25], [sflag:$0x2] =	stream.indirect_vreg.gather [hbm4b:s6+s3], $0x80, v4, vm0, $0xb8;
	[tilespmem:$0x18100] =	vst v63  }
0xf7: {  	s25 =	simm.s32 $0xD900  }
0xf8: {  	[tilespmem:s25], [sflag:$0x2] =	stream.indirect_vreg.gather [hbm4b:s7+s3], $0x80, v4, vm0, $0xb8;
	[tilespmem:$0x18100] =	vst v63  }
0xf9: {  	s25 =	simm.s32 $0xE100  }
0xfa: {  	[tilespmem:s25], [sflag:$0x2] =	stream.indirect_vreg.gather [hbm4b:s2+s3], $0x80, v3, vm0, $0xb8;
	[tilespmem:$0x18100] =	vst v63  }
0xfb: {  	s25 =	simm.s32 $0xE900  }
0xfc: {  	[tilespmem:s25], [sflag:$0x2] =	stream.indirect_vreg.gather [hbm4b:s5+s3], $0x80, v3, vm0, $0xb8;
	[tilespmem:$0x18100] =	vst v63  }
0xfd: {  	s25 =	simm.s32 $0xF100  }
0xfe: {  	[tilespmem:s25], [sflag:$0x2] =	stream.indirect_vreg.gather [hbm4b:s6+s3], $0x80, v3, vm0, $0xb8;
	[tilespmem:$0x18100] =	vst v63  }
0xff: {  	s25 =	simm.s32 $0xF900  }
0x100: {  	[tilespmem:s25], [sflag:$0x2] =	stream.indirect_vreg.gather [hbm4b:s7+s3], $0x80, v3, vm0, $0xb8;
	[tilespmem:$0x18100] =	vst v63  }
0x101: {  	_ =	swait.ge [sflag:s31], $0x8000  }
0x102: {  	[sflag:s31] =	ssyncset.done $0x0  }
0x103: {  	s25 =	rddreg [dreg:$0x6];
	[sflag:s31] =	ssyncadd.s32 $0xFFFF8000  }
0x104: {  	[hbm4b:s25+s3] =	stream.linear.scatter [tilespmem:s1], [sflag:$0x6], $0x8000, $0x38;
	[tilespmem:$0x18100] =	vst v63  }
0x105: {  	_ =	swait.ge [sflag:s24], $0x8000  }
0x106: {  	[sflag:s24] =	ssyncset.done $0x0  }
0x107: {  	[sflag:s24] =	ssyncadd.s32 $0xFFFF8000  }
0x108: {  	v3 =	vld [tilespmem:$0xA0];
	_ =	sdelay $0x4  }
0x109: {  	v58 =	vshll.u32 v3, $0x3  }
0x10a: {  	v3 =	vand.u32 $0x7, v3;
	v4 =	vand.u32 $0xFFFFFFC0, v58  }
0x10b: {  	v3 =	vor.u32 v3, v4  }
0x10c: {  	v4 =	vperm.xlane v3, v0;
	_ =	sdelay $0x1  }
0x10d: {  	v4 =	vadd.s32 v1, v4;
	_ =	sdelay $0x4  }
0x10e: {  	[tilespmem:s1], [sflag:$0x3] =	stream.indirect_vreg.gather [hbm4b:s2+s3], $0x80, v4, vm0, $0xb8;
	[tilespmem:$0x18100] =	vst v63  }
0x10f: {  	v3 =	vperm.xlane v3, v2  }
0x110: {  	[tilespmem:s23], [sflag:$0x3] =	stream.indirect_vreg.gather [hbm4b:s5+s3], $0x80, v4, vm0, $0xb8;
	[tilespmem:$0x18100] =	vst v63  }
0x111: {  	v3 =	vadd.s32 v1, v3  }
0x112: {  	[tilespmem:s4], [sflag:$0x3] =	stream.indirect_vreg.gather [hbm4b:s6+s3], $0x80, v4, vm0, $0xb8;
	[tilespmem:$0x18100] =	vst v63  }
0x113: {  	_ = 	snop  }
0x114: {  	[tilespmem:s9], [sflag:$0x3] =	stream.indirect_vreg.gather [hbm4b:s7+s3], $0x80, v4, vm0, $0xb8;
	[tilespmem:$0x18100] =	vst v63  }
0x115: {  	_ = 	snop  }
0x116: {  	[tilespmem:s10], [sflag:$0x3] =	stream.indirect_vreg.gather [hbm4b:s2+s3], $0x80, v3, vm0, $0xb8;
	[tilespmem:$0x18100] =	vst v63  }
0x117: {  	_ = 	snop  }
0x118: {  	[tilespmem:s11], [sflag:$0x3] =	stream.indirect_vreg.gather [hbm4b:s5+s3], $0x80, v3, vm0, $0xb8;
	[tilespmem:$0x18100] =	vst v63  }
0x119: {  	_ = 	snop  }
0x11a: {  	[tilespmem:s12], [sflag:$0x3] =	stream.indirect_vreg.gather [hbm4b:s6+s3], $0x80, v3, vm0, $0xb8;
	[tilespmem:$0x18100] =	vst v63  }
0x11b: {  	_ = 	snop  }
0x11c: {  	[tilespmem:s13], [sflag:$0x3] =	stream.indirect_vreg.gather [hbm4b:s7+s3], $0x80, v3, vm0, $0xb8;
	[tilespmem:$0x18100] =	vst v63  }
0x11d: {  	v3 =	vld [tilespmem:$0xB0];
	_ =	sdelay $0x4  }
0x11e: {  	v59 =	vshll.u32 v3, $0x3  }
0x11f: {  	v3 =	vand.u32 $0x7, v3;
	v4 =	vand.u32 $0xFFFFFFC0, v59  }
0x120: {  	v3 =	vor.u32 v3, v4  }
0x121: {  	v4 =	vperm.xlane v3, v0;
	_ =	sdelay $0x1  }
0x122: {  	v4 =	vadd.s32 v1, v4;
	_ =	sdelay $0x4  }
0x123: {  	[tilespmem:s14], [sflag:$0x3] =	stream.indirect_vreg.gather [hbm4b:s2+s3], $0x80, v4, vm0, $0xb8;
	[tilespmem:$0x18100] =	vst v63  }
0x124: {  	v3 =	vperm.xlane v3, v2  }
0x125: {  	[tilespmem:s15], [sflag:$0x3] =	stream.indirect_vreg.gather [hbm4b:s5+s3], $0x80, v4, vm0, $0xb8;
	[tilespmem:$0x18100] =	vst v63  }
0x126: {  	v3 =	vadd.s32 v1, v3  }
0x127: {  	[tilespmem:s16], [sflag:$0x3] =	stream.indirect_vreg.gather [hbm4b:s6+s3], $0x80, v4, vm0, $0xb8;
	[tilespmem:$0x18100] =	vst v63  }
0x128: {  	_ = 	snop  }
0x129: {  	[tilespmem:s17], [sflag:$0x3] =	stream.indirect_vreg.gather [hbm4b:s7+s3], $0x80, v4, vm0, $0xb8;
	[tilespmem:$0x18100] =	vst v63  }
0x12a: {  	_ = 	snop  }
0x12b: {  	[tilespmem:s18], [sflag:$0x3] =	stream.indirect_vreg.gather [hbm4b:s2+s3], $0x80, v3, vm0, $0xb8;
	[tilespmem:$0x18100] =	vst v63  }
0x12c: {  	_ = 	snop  }
0x12d: {  	[tilespmem:s28], [sflag:$0x3] =	stream.indirect_vreg.gather [hbm4b:s5+s3], $0x80, v3, vm0, $0xb8;
	[tilespmem:$0x18100] =	vst v63  }
0x12e: {  	_ = 	snop  }
0x12f: {  	[tilespmem:s29], [sflag:$0x3] =	stream.indirect_vreg.gather [hbm4b:s6+s3], $0x80, v3, vm0, $0xb8;
	[tilespmem:$0x18100] =	vst v63  }
0x130: {  	_ = 	snop  }
0x131: {  	[tilespmem:s30], [sflag:$0x3] =	stream.indirect_vreg.gather [hbm4b:s7+s3], $0x80, v3, vm0, $0xb8;
	[tilespmem:$0x18100] =	vst v63  }
0x132: {  	_ =	swait.ge [sflag:s19], $0x8000  }
0x133: {  	[sflag:s19] =	ssyncset.done $0x0  }
0x134: {  	s4 =	rddreg [dreg:$0x7];
	[sflag:s19] =	ssyncadd.s32 $0xFFFF8000  }
0x135: {  	[hbm4b:s4+s3] =	stream.linear.scatter [tilespmem:s26], [sflag:$0x4], $0x8000, $0x38;
	[tilespmem:$0x18100] =	vst v63  }
0x136: {  	_ =	swait.ge [sflag:s20], $0x8000  }
0x137: {  	[sflag:s20] =	ssyncset.done $0x0  }
0x138: {  	[sflag:s20] =	ssyncadd.s32 $0xFFFF8000  }
0x139: {  	v3 =	vld [tilespmem:$0xC0];
	_ =	sdelay $0x4  }
0x13a: {  	v60 =	vshll.u32 v3, $0x3  }
0x13b: {  	v3 =	vand.u32 $0x7, v3;
	v4 =	vand.u32 $0xFFFFFFC0, v60  }
0x13c: {  	v3 =	vor.u32 v3, v4  }
0x13d: {  	v4 =	vperm.xlane v3, v0;
	_ =	sdelay $0x1  }
0x13e: {  	v4 =	vadd.s32 v1, v4;
	_ =	sdelay $0x4  }
0x13f: {  	[tilespmem:s26], [sflag:$0x1] =	stream.indirect_vreg.gather [hbm4b:s2+s3], $0x80, v4, vm0, $0xb8;
	[tilespmem:$0x18100] =	vst v63  }
0x140: {  	s25 =	simm.s32 $0x900;
	v3 =	vperm.xlane v3, v2  }
0x141: {  	[tilespmem:s25], [sflag:$0x1] =	stream.indirect_vreg.gather [hbm4b:s5+s3], $0x80, v4, vm0, $0xb8;
	[tilespmem:$0x18100] =	vst v63  }
0x142: {  	v3 =	vadd.s32 v1, v3;
	s25 =	simm.s32 $0x1100  }
0x143: {  	[tilespmem:s25], [sflag:$0x1] =	stream.indirect_vreg.gather [hbm4b:s6+s3], $0x80, v4, vm0, $0xb8;
	[tilespmem:$0x18100] =	vst v63  }
0x144: {  	s25 =	simm.s32 $0x1900  }
0x145: {  	[tilespmem:s25], [sflag:$0x1] =	stream.indirect_vreg.gather [hbm4b:s7+s3], $0x80, v4, vm0, $0xb8;
	[tilespmem:$0x18100] =	vst v63  }
0x146: {  	s25 =	simm.s32 $0x2100  }
0x147: {  	[tilespmem:s25], [sflag:$0x1] =	stream.indirect_vreg.gather [hbm4b:s2+s3], $0x80, v3, vm0, $0xb8;
	[tilespmem:$0x18100] =	vst v63  }
0x148: {  	s25 =	simm.s32 $0x2900  }
0x149: {  	[tilespmem:s25], [sflag:$0x1] =	stream.indirect_vreg.gather [hbm4b:s5+s3], $0x80, v3, vm0, $0xb8;
	[tilespmem:$0x18100] =	vst v63  }
0x14a: {  	s25 =	simm.s32 $0x3100  }
0x14b: {  	[tilespmem:s25], [sflag:$0x1] =	stream.indirect_vreg.gather [hbm4b:s6+s3], $0x80, v3, vm0, $0xb8;
	[tilespmem:$0x18100] =	vst v63  }
0x14c: {  	s25 =	simm.s32 $0x3900  }
0x14d: {  	[tilespmem:s25], [sflag:$0x1] =	stream.indirect_vreg.gather [hbm4b:s7+s3], $0x80, v3, vm0, $0xb8;
	[tilespmem:$0x18100] =	vst v63  }
0x14e: {  	v3 =	vld [tilespmem:$0xD0];
	_ =	sdelay $0x4  }
0x14f: {  	v61 =	vshll.u32 v3, $0x3  }
0x150: {  	v3 =	vand.u32 $0x7, v3;
	v4 =	vand.u32 $0xFFFFFFC0, v61  }
0x151: {  	v3 =	vor.u32 v3, v4  }
0x152: {  	v4 =	vperm.xlane v3, v0;
	_ =	sdelay $0x1  }
0x153: {  	v4 =	vadd.s32 v1, v4;
	_ =	sdelay $0x3  }
0x154: {  	s25 =	simm.s32 $0x4100  }
0x155: {  	[tilespmem:s25], [sflag:$0x1] =	stream.indirect_vreg.gather [hbm4b:s2+s3], $0x80, v4, vm0, $0xb8;
	[tilespmem:$0x18100] =	vst v63  }
0x156: {  	v3 =	vperm.xlane v3, v2;
	s25 =	simm.s32 $0x4900  }
0x157: {  	[tilespmem:s25], [sflag:$0x1] =	stream.indirect_vreg.gather [hbm4b:s5+s3], $0x80, v4, vm0, $0xb8;
	[tilespmem:$0x18100] =	vst v63  }
0x158: {  	v3 =	vadd.s32 v1, v3;
	s25 =	simm.s32 $0x5100  }
0x159: {  	[tilespmem:s25], [sflag:$0x1] =	stream.indirect_vreg.gather [hbm4b:s6+s3], $0x80, v4, vm0, $0xb8;
	[tilespmem:$0x18100] =	vst v63  }
0x15a: {  	s25 =	simm.s32 $0x5900  }
0x15b: {  	[tilespmem:s25], [sflag:$0x1] =	stream.indirect_vreg.gather [hbm4b:s7+s3], $0x80, v4, vm0, $0xb8;
	[tilespmem:$0x18100] =	vst v63  }
0x15c: {  	s25 =	simm.s32 $0x6100  }
0x15d: {  	[tilespmem:s25], [sflag:$0x1] =	stream.indirect_vreg.gather [hbm4b:s2+s3], $0x80, v3, vm0, $0xb8;
	[tilespmem:$0x18100] =	vst v63  }
0x15e: {  	s25 =	simm.s32 $0x6900  }
0x15f: {  	[tilespmem:s25], [sflag:$0x1] =	stream.indirect_vreg.gather [hbm4b:s5+s3], $0x80, v3, vm0, $0xb8;
	[tilespmem:$0x18100] =	vst v63  }
0x160: {  	s25 =	simm.s32 $0x7100  }
0x161: {  	[tilespmem:s25], [sflag:$0x1] =	stream.indirect_vreg.gather [hbm4b:s6+s3], $0x80, v3, vm0, $0xb8;
	[tilespmem:$0x18100] =	vst v63  }
0x162: {  	s25 =	simm.s32 $0x7900  }
0x163: {  	[tilespmem:s25], [sflag:$0x1] =	stream.indirect_vreg.gather [hbm4b:s7+s3], $0x80, v3, vm0, $0xb8;
	[tilespmem:$0x18100] =	vst v63  }
0x164: {  	_ =	swait.ge [sflag:s21], $0x8000  }
0x165: {  	[sflag:s21] =	ssyncset.done $0x0  }
0x166: {  	s4 =	rddreg [dreg:$0x8];
	[sflag:s21] =	ssyncadd.s32 $0xFFFF8000  }
0x167: {  	[hbm4b:s4+s3] =	stream.linear.scatter [tilespmem:s0], [sflag:$0x5], $0x8000, $0x38;
	[tilespmem:$0x18100] =	vst v63  }
0x168: {  	_ =	swait.ge [sflag:s22], $0x8000  }
0x169: {  	[sflag:s22] =	ssyncset.done $0x0  }
0x16a: {  	[sflag:s22] =	ssyncadd.s32 $0xFFFF8000  }
0x16b: {  	v3 =	vld [tilespmem:$0xE0];
	_ =	sdelay $0x4  }
0x16c: {  	v62 =	vshll.u32 v3, $0x3  }
0x16d: {  	v3 =	vand.u32 $0x7, v3;
	v4 =	vand.u32 $0xFFFFFFC0, v62  }
0x16e: {  	v3 =	vor.u32 v3, v4  }
0x16f: {  	v4 =	vperm.xlane v3, v0;
	_ =	sdelay $0x1  }
0x170: {  	v4 =	vadd.s32 v1, v4;
	_ =	sdelay $0x4  }
0x171: {  	[tilespmem:s0], [sflag:$0x2] =	stream.indirect_vreg.gather [hbm4b:s2+s3], $0x80, v4, vm0, $0xb8;
	[tilespmem:$0x18100] =	vst v63  }
0x172: {  	s25 =	simm.s32 $0x8900;
	v3 =	vperm.xlane v3, v2  }
0x173: {  	[tilespmem:s25], [sflag:$0x2] =	stream.indirect_vreg.gather [hbm4b:s5+s3], $0x80, v4, vm0, $0xb8;
	[tilespmem:$0x18100] =	vst v63  }
0x174: {  	v3 =	vadd.s32 v1, v3;
	s25 =	simm.s32 $0x9100  }
0x175: {  	[tilespmem:s25], [sflag:$0x2] =	stream.indirect_vreg.gather [hbm4b:s6+s3], $0x80, v4, vm0, $0xb8;
	[tilespmem:$0x18100] =	vst v63  }
0x176: {  	s25 =	simm.s32 $0x9900  }
0x177: {  	[tilespmem:s25], [sflag:$0x2] =	stream.indirect_vreg.gather [hbm4b:s7+s3], $0x80, v4, vm0, $0xb8;
	[tilespmem:$0x18100] =	vst v63  }
0x178: {  	s25 =	simm.s32 $0xA100  }
0x179: {  	[tilespmem:s25], [sflag:$0x2] =	stream.indirect_vreg.gather [hbm4b:s2+s3], $0x80, v3, vm0, $0xb8;
	[tilespmem:$0x18100] =	vst v63  }
0x17a: {  	s25 =	simm.s32 $0xA900  }
0x17b: {  	[tilespmem:s25], [sflag:$0x2] =	stream.indirect_vreg.gather [hbm4b:s5+s3], $0x80, v3, vm0, $0xb8;
	[tilespmem:$0x18100] =	vst v63  }
0x17c: {  	s25 =	simm.s32 $0xB100  }
0x17d: {  	[tilespmem:s25], [sflag:$0x2] =	stream.indirect_vreg.gather [hbm4b:s6+s3], $0x80, v3, vm0, $0xb8;
	[tilespmem:$0x18100] =	vst v63  }
0x17e: {  	s25 =	simm.s32 $0xB900  }
0x17f: {  	[tilespmem:s25], [sflag:$0x2] =	stream.indirect_vreg.gather [hbm4b:s7+s3], $0x80, v3, vm0, $0xb8;
	[tilespmem:$0x18100] =	vst v63  }
0x180: {  	v3 =	vld [tilespmem:$0xF0];
	_ =	sdelay $0x4  }
0x181: {  	v63 =	vshll.u32 v3, $0x3  }
0x182: {  	v3 =	vand.u32 $0x7, v3;
	v4 =	vand.u32 $0xFFFFFFC0, v63  }
0x183: {  	v3 =	vor.u32 v3, v4  }
0x184: {  	v4 =	vperm.xlane v3, v0;
	_ =	sdelay $0x1  }
0x185: {  	v4 =	vadd.s32 v1, v4;
	_ =	sdelay $0x3  }
0x186: {  	s25 =	simm.s32 $0xC100  }
0x187: {  	[tilespmem:s25], [sflag:$0x2] =	stream.indirect_vreg.gather [hbm4b:s2+s3], $0x80, v4, vm0, $0xb8;
	[tilespmem:$0x18100] =	vst v63  }
0x188: {  	v3 =	vperm.xlane v3, v2;
	s25 =	simm.s32 $0xC900  }
0x189: {  	[tilespmem:s25], [sflag:$0x2] =	stream.indirect_vreg.gather [hbm4b:s5+s3], $0x80, v4, vm0, $0xb8;
	[tilespmem:$0x18100] =	vst v63  }
0x18a: {  	v3 =	vadd.s32 v1, v3;
	s25 =	simm.s32 $0xD100  }
0x18b: {  	[tilespmem:s25], [sflag:$0x2] =	stream.indirect_vreg.gather [hbm4b:s6+s3], $0x80, v4, vm0, $0xb8;
	[tilespmem:$0x18100] =	vst v63  }
0x18c: {  	s25 =	simm.s32 $0xD900  }
0x18d: {  	[tilespmem:s25], [sflag:$0x2] =	stream.indirect_vreg.gather [hbm4b:s7+s3], $0x80, v4, vm0, $0xb8;
	[tilespmem:$0x18100] =	vst v63  }
0x18e: {  	s25 =	simm.s32 $0xE100  }
0x18f: {  	[tilespmem:s25], [sflag:$0x2] =	stream.indirect_vreg.gather [hbm4b:s2+s3], $0x80, v3, vm0, $0xb8;
	[tilespmem:$0x18100] =	vst v63  }
0x190: {  	s25 =	simm.s32 $0xE900  }
0x191: {  	[tilespmem:s25], [sflag:$0x2] =	stream.indirect_vreg.gather [hbm4b:s5+s3], $0x80, v3, vm0, $0xb8;
	[tilespmem:$0x18100] =	vst v63  }
0x192: {  	s25 =	simm.s32 $0xF100  }
0x193: {  	[tilespmem:s25], [sflag:$0x2] =	stream.indirect_vreg.gather [hbm4b:s6+s3], $0x80, v3, vm0, $0xb8;
	[tilespmem:$0x18100] =	vst v63  }
0x194: {  	s25 =	simm.s32 $0xF900  }
0x195: {  	[tilespmem:s25], [sflag:$0x2] =	stream.indirect_vreg.gather [hbm4b:s7+s3], $0x80, v3, vm0, $0xb8;
	[tilespmem:$0x18100] =	vst v63  }
0x196: {  	_ =	swait.ge [sflag:s31], $0x8000  }
0x197: {  	[sflag:s31] =	ssyncset.done $0x0  }
0x198: {  	s4 =	rddreg [dreg:$0x9];
	[sflag:s31] =	ssyncadd.s32 $0xFFFF8000  }
0x199: {  	[hbm4b:s4+s3] =	stream.linear.scatter [tilespmem:s1], [sflag:$0x6], $0x8000, $0x38;
	[tilespmem:$0x18100] =	vst v63  }
0x19a: {  	_ =	swait.ge [sflag:s19], $0x8000  }
0x19b: {  	[sflag:s19] =	ssyncset.done $0x0  }
0x19c: {  	s1 =	rddreg [dreg:$0xa];
	[sflag:s19] =	ssyncadd.s32 $0xFFFF8000  }
0x19d: {  	[hbm4b:s1+s3] =	stream.linear.scatter [tilespmem:s26], [sflag:$0x4], $0x8000, $0x38;
	[tilespmem:$0x18100] =	vst v63  }
0x19e: {  	_ =	swait.ge [sflag:s21], $0x8000  }
0x19f: {  	[sflag:s21] =	ssyncset.done $0x0  }
0x1a0: {  	s4 =	rddreg [dreg:$0xb];
	[sflag:s21] =	ssyncadd.s32 $0xFFFF8000  }
0x1a1: {  	[hbm4b:s4+s3] =	stream.linear.scatter [tilespmem:s0], [sflag:$0x5], $0x8000, $0x38;
	[tilespmem:$0x18100] =	vst v63  }
0x1a2: {  	_ =	swait.ge [sflag:s24], $0x8000  }
0x1a3: {  	[sflag:s24] =	ssyncset.done $0x0  }
0x1a4: {  	[sflag:s24] =	ssyncadd.s32 $0xFFFF8000  }
0x1a5: {  	p0 =	sne.s32 s8, $0x1;
	_ =	swait.ge [sflag:s20], $0x8000  }
.Ltmp0:
0x1a6: {  	[sflag:s20] =	ssyncset.done $0x0;
	(pc) =	sbr.rel @p0 .LBB2_1-.Ltmp0, $4  }
0x1a7: {  	[sflag:s20] =	ssyncadd.s32 $0xFFFF8000  }
0x1a8: {  	_ =	swait.ge [sflag:s22], $0x8000  }
0x1a9: {  	[sflag:s22] =	ssyncset.done $0x0  }
0x1aa: {  	s8 =	sadd.s32 $0xFFFFFFFF, s8;
	[sflag:s22] =	ssyncadd.s32 $0xFFFF8000  }
0x1ab: {  	_ =	sfence.sel $0x180000  }
0x1ac: {  	[bflag:$0x0] =	sbarrier.arrive $0xFFFF  }
0x1ad: {  	_ =	strace $0x90000047  }
0x1ae: {  	s0 =	stileid.u32;
	[bflag:$0x2] =	sbarrier.arrive $0xFFFF  }
0x1af: {  	p0 =	sne.s32 s0, $0x0;
	s0 =	rddreg [dreg:$0x3]  }
0x1b0: {  	s0 =	sadd.s32 @!p0 $0x100000, s0  }
0x1b1: {  	[sflag:s0] =	ssyncadd.tile.s32 @!p0 $0x1;
	_ =	shalt  }
.Lfunc_end2:
_tile_overlayer_lowered:
.L_overlay_start_2:
0x1b2: {  	(tag) =	ssettag $0x2  }
0x1b3: {  	s0 =	rddreg [dreg:$0x0];
	s2 =	stileid.u32  }
0x1b4: {  	s1 =	rddreg [dreg:$0x1];
	p0 =	sne.s32 s2, $0x0  }
0x1b5: {  	s3 =	rddreg [dreg:$0x2];
	[bflag:$0x3] =	sbarrier.arrive $0xFFFF;
	s2 =	simm.s32 @!p0 $0x1C07  }
0x1b6: {  	[timem:s3], [sflag:s2] =	dma.local @!p0 [hbm:s0], s1  }
0x1b7: {  	s0 =	simm.s32 @!p0 $0x7  }
0x1b8: {  	_ =	swait.ge @!p0 [sflag:s0], s1  }
0x1b9: {  	s1 =	ssub.s32 @!p0 $0x0, s1;
	[sflag:s0] =	ssyncset.done @!p0 $0x0  }
0x1ba: {  	[sflag:s0] =	ssyncadd.s32 @!p0 s1  }
0x1bb: {  	[bflag:$0x3] =	sbarrier.arrive $0xFFFF  }
0x1bc: {  	_ =	shalt  }

</sc_bundles>
